<compile_context>
chip_gen: v7x
topology: tpu7x:2x2x1
jax: 0.10.2.dev20260603
libtpu: 0.0.44.dev20260713+nightly
codegen_flags: <defaults>
</compile_context>

<pallas_src>
import functools

import jax
import jax.numpy as jnp
from jax import lax
from jax.experimental import pallas as pl
from jax.experimental.pallas import tpu as pltpu
from jax.experimental.pallas import tpu_sc as plsc

_INFO = plsc.get_sparse_core_info()
_NC, _NS = _INFO.num_cores, _INFO.num_subcores
_NW = _NC * _NS


@functools.lru_cache(maxsize=None)
def _build(vocab, n_embd, n_tokens):
    assert n_tokens % _NW == 0
    per_w = n_tokens // _NW
    chunk = 128
    assert per_w % chunk == 0
    n_chunks = per_w // chunk
    nbuf = 8
    assert n_chunks % nbuf == 0

    mesh = plsc.VectorSubcoreMesh(core_axis_name="c", subcore_axis_name="s")

    @functools.partial(
        pl.kernel,
        out_type=jax.ShapeDtypeStruct((n_tokens, 128), jnp.float32),
        mesh=mesh,
        scratch_types=[
            pltpu.VMEM((n_chunks, chunk), jnp.int32),
            pltpu.VMEM((nbuf, chunk, n_embd), jnp.float32),
        ]
        + [pltpu.SemaphoreType.DMA] * nbuf,
        compiler_params=pltpu.CompilerParams(use_tc_tiling_on_sc=False),
    )
    def emb(table_hbm, idx_hbm, out_hbm, idx_v, bufs, *sems):
        wid = lax.axis_index("s") * _NC + lax.axis_index("c")
        base = wid * per_w
        pltpu.sync_copy(idx_hbm.at[wid], idx_v)

        def start(j, b):
            pltpu.async_copy(table_hbm.at[idx_v.at[j]], bufs.at[b], sems[b])

        def wait(b):
            pltpu.make_async_copy(
                table_hbm.at[pl.ds(0, chunk)], bufs.at[b], sems[b]
            ).wait()

        for b in range(nbuf):
            start(b, b)

        @pl.loop(0, n_chunks, step=nbuf)
        def _(j0):
            for b in range(nbuf):
                j = j0 + b
                wait(b)
                pltpu.sync_copy(
                    bufs.at[b],
                    out_hbm.at[pl.ds(base + j * chunk, chunk), pl.ds(0, n_embd)],
                )
                nxt = j + nbuf

                @pl.when(nxt < n_chunks)
                def _():
                    start(nxt, b)

    return emb


def kernel(token_ids, emb_weight):
    b, t = token_ids.shape
    vocab, n_embd = emb_weight.shape
    n_tokens = b * t
    emb = _build(vocab, n_embd, n_tokens)
    idx = token_ids.astype(jnp.int32).reshape(_NW, -1, 128)
    out_pad = emb(emb_weight, idx)
    return out_pad[:, :n_embd].reshape(b, t, n_embd)

# --- scband reference (transcript-rebuilt; emitter-appended) ---
"""Pipeline reference for scband-lz78-embedding-50190987821119 (READ-ONLY COPY).

The authoritative reference and input builder live on the scoring server;
editing this copy changes nothing except your own understanding.
"""

import jax, jax.numpy as jnp
import numpy as np

VOCAB = 1000000
N_EMBD = 64
B, T = 4096, 200

def setup_inputs(seed: int = 0) -> dict:
    key = jax.random.key(seed)
    k_idx, k_emb = jax.random.split(key)
    token_ids = jax.random.randint(k_idx, (B, T), 0, VOCAB, dtype=jnp.int64 if jax.config.jax_enable_x64 else jnp.int32)
    emb_weight = jax.random.normal(k_emb, (VOCAB, N_EMBD), dtype=jnp.float32)
    return {"token_ids": token_ids, "emb_weight": emb_weight}

def reference(token_ids, emb_weight):
    # flat mode: simple embedding lookup -> (B, T, n_embd)
    return jnp.take(emb_weight, token_ids, axis=0)

if __name__ == "__main__":
    import jax
    _d = setup_inputs()
    print(jax.jit(kernel)(*tuple(_d.values())))

</pallas_src>

<mosaic_0001>
#map = affine_map<(d0, d1) -> (0, 0)>
#map1 = affine_map<(d0, d1) -> (0, 0, 0)>
module attributes {stable_mosaic.version = 14 : i64} {
  func.func @emb(%arg0: i32, %arg1: i32, %arg2: memref<1000000x64xf32, #tpu.memory_space<hbm>>, %arg3: memref<32x200x128xi32, #tpu.memory_space<hbm>>, %arg4: memref<819200x128xf32, #tpu.memory_space<hbm>>, %arg5: memref<200x128xi32, #tpu.memory_space<vmem>>, %arg6: memref<8x128x64xf32, #tpu.memory_space<vmem>>, %arg7: memref<!tpu.dma_semaphore, #tpu.memory_space<semaphore_mem>>, %arg8: memref<!tpu.dma_semaphore, #tpu.memory_space<semaphore_mem>>, %arg9: memref<!tpu.dma_semaphore, #tpu.memory_space<semaphore_mem>>, %arg10: memref<!tpu.dma_semaphore, #tpu.memory_space<semaphore_mem>>, %arg11: memref<!tpu.dma_semaphore, #tpu.memory_space<semaphore_mem>>, %arg12: memref<!tpu.dma_semaphore, #tpu.memory_space<semaphore_mem>>, %arg13: memref<!tpu.dma_semaphore, #tpu.memory_space<semaphore_mem>>, %arg14: memref<!tpu.dma_semaphore, #tpu.memory_space<semaphore_mem>>) attributes {dimension_semantics = [#tpu.dimension_semantics<core_parallel>, #tpu.dimension_semantics<subcore_parallel>], iteration_bounds = array<i64: 2, 16>, scalar_prefetch = 0 : i64, scratch_operands = 10 : i64, tpu.core_type = #tpu.core_type<sc_vector_subcore>, window_params = [{transform_indices = #map}, {transform_indices = #map1}, {transform_indices = #map}]} {
    %mul3A = arith.constant 2 : i32
    %mul3A_0 = arith.muli %arg1, %mul3A : i32
    %add3A = arith.addi %mul3A_0, %arg0 : i32
    %mul3A_1 = arith.constant 25600 : i32
    %mul3A_2 = arith.muli %add3A, %mul3A_1 : i32
    "tpu.region"() ({
      %run_scoped3A = tpu.sem_alloc : memref<!tpu.dma_semaphore, #tpu.memory_space<semaphore_mem>>
      %dma_start3A_102 = arith.constant 0 : i32
      %dma_start3A_103 = arith.constant 0 : i32
      %dma_start3A_104 = tpu.memref_slice %arg3[%add3A, %dma_start3A_102, %dma_start3A_103] : memref<32x200x128xi32, #tpu.memory_space<hbm>> -> memref<1x200x128xi32, #tpu.memory_space<hbm>>
      %dma_start3A_105 = tpu.memref_squeeze %dma_start3A_104 : memref<1x200x128xi32, #tpu.memory_space<hbm>> -> memref<200x128xi32, #tpu.memory_space<hbm>>
      %dma_start3A_106 = arith.constant 0 : i32
      %dma_start3A_107 = arith.constant 0 : i32
      %dma_start3A_108 = tpu.memref_slice %arg3[%add3A, %dma_start3A_106, %dma_start3A_107] : memref<32x200x128xi32, #tpu.memory_space<hbm>> -> memref<1x200x128xi32, #tpu.memory_space<hbm>>
      %dma_start3A_109 = tpu.memref_squeeze %dma_start3A_108 : memref<1x200x128xi32, #tpu.memory_space<hbm>> -> memref<200x128xi32, #tpu.memory_space<hbm>>
      tpu.enqueue_dma source(%dma_start3A_109 : memref<200x128xi32, #tpu.memory_space<hbm>>) target(%arg5 : memref<200x128xi32, #tpu.memory_space<vmem>>) target_semaphore(%run_scoped3A : memref<!tpu.dma_semaphore, #tpu.memory_space<semaphore_mem>>)
      %dma_wait3A = arith.constant 0 : i32
      %dma_wait3A_110 = arith.constant 0 : i32
      %dma_wait3A_111 = tpu.memref_slice %arg3[%add3A, %dma_wait3A, %dma_wait3A_110] : memref<32x200x128xi32, #tpu.memory_space<hbm>> -> memref<1x200x128xi32, #tpu.memory_space<hbm>>
      %dma_wait3A_112 = tpu.memref_squeeze %dma_wait3A_111 : memref<1x200x128xi32, #tpu.memory_space<hbm>> -> memref<200x128xi32, #tpu.memory_space<hbm>>
      %dma_wait3A_113 = arith.constant 0 : i32
      %dma_wait3A_114 = arith.constant 0 : i32
      %dma_wait3A_115 = tpu.memref_slice %arg3[%add3A, %dma_wait3A_113, %dma_wait3A_114] : memref<32x200x128xi32, #tpu.memory_space<hbm>> -> memref<1x200x128xi32, #tpu.memory_space<hbm>>
      %dma_wait3A_116 = tpu.memref_squeeze %dma_wait3A_115 : memref<1x200x128xi32, #tpu.memory_space<hbm>> -> memref<200x128xi32, #tpu.memory_space<hbm>>
      tpu.wait_dma2 semaphore(%run_scoped3A : memref<!tpu.dma_semaphore, #tpu.memory_space<semaphore_mem>>) src(%dma_wait3A_116 : memref<200x128xi32, #tpu.memory_space<hbm>>) dst(%arg5 : memref<200x128xi32, #tpu.memory_space<vmem>>)
      tpu.yield
    }) : () -> ()
    %dma_start3A = arith.constant 0 : i32
    %dma_start3A_3 = arith.constant 0 : i32
    %dma_start3A_4 = arith.constant 0 : i32
    %dma_start3A_5 = arith.constant 0 : i32
    %dma_start3A_6 = tpu.memref_slice %arg6[%dma_start3A_3, %dma_start3A_4, %dma_start3A_5] : memref<8x128x64xf32, #tpu.memory_space<vmem>> -> memref<1x128x64xf32, #tpu.memory_space<vmem>>
    %dma_start3A_7 = tpu.memref_squeeze %dma_start3A_6 : memref<1x128x64xf32, #tpu.memory_space<vmem>> -> memref<128x64xf32, #tpu.memory_space<vmem>>
    %dma_start3A_8 = arith.constant 0 : i32
    %dma_start3A_9 = tpu.memref_slice %arg5[%dma_start3A, %dma_start3A_8] : memref<200x128xi32, #tpu.memory_space<vmem>> -> memref<1x128xi32, #tpu.memory_space<vmem>>
    %dma_start3A_10 = tpu.memref_squeeze %dma_start3A_9 : memref<1x128xi32, #tpu.memory_space<vmem>> -> memref<128xi32, #tpu.memory_space<vmem>>
    %dma_start3A_11 = arith.constant 0 : i32
    %dma_start3A_12 = arith.constant 0 : i32
    %dma_start3A_13 = tpu.memref_slice %arg2[%dma_start3A_11, %dma_start3A_12] : memref<1000000x64xf32, #tpu.memory_space<hbm>> -> memref<1000000x64xf32, #tpu.memory_space<hbm>>
    tpu.enqueue_indirect_dma source(%dma_start3A_13 : memref<1000000x64xf32, #tpu.memory_space<hbm>>) target(%dma_start3A_7 : memref<128x64xf32, #tpu.memory_space<vmem>>) offsets(%dma_start3A_10 : memref<128xi32, #tpu.memory_space<vmem>>) semaphore(%arg7 : memref<!tpu.dma_semaphore, #tpu.memory_space<semaphore_mem>>)
    %dma_start3A_14 = arith.constant 1 : i32
    %dma_start3A_15 = arith.constant 1 : i32
    %dma_start3A_16 = arith.constant 0 : i32
    %dma_start3A_17 = arith.constant 0 : i32
    %dma_start3A_18 = tpu.memref_slice %arg6[%dma_start3A_15, %dma_start3A_16, %dma_start3A_17] : memref<8x128x64xf32, #tpu.memory_space<vmem>> -> memref<1x128x64xf32, #tpu.memory_space<vmem>>
    %dma_start3A_19 = tpu.memref_squeeze %dma_start3A_18 : memref<1x128x64xf32, #tpu.memory_space<vmem>> -> memref<128x64xf32, #tpu.memory_space<vmem>>
    %dma_start3A_20 = arith.constant 0 : i32
    %dma_start3A_21 = tpu.memref_slice %arg5[%dma_start3A_14, %dma_start3A_20] : memref<200x128xi32, #tpu.memory_space<vmem>> -> memref<1x128xi32, #tpu.memory_space<vmem>>
    %dma_start3A_22 = tpu.memref_squeeze %dma_start3A_21 : memref<1x128xi32, #tpu.memory_space<vmem>> -> memref<128xi32, #tpu.memory_space<vmem>>
    %dma_start3A_23 = arith.constant 0 : i32
    %dma_start3A_24 = arith.constant 0 : i32
    %dma_start3A_25 = tpu.memref_slice %arg2[%dma_start3A_23, %dma_start3A_24] : memref<1000000x64xf32, #tpu.memory_space<hbm>> -> memref<1000000x64xf32, #tpu.memory_space<hbm>>
    tpu.enqueue_indirect_dma source(%dma_start3A_25 : memref<1000000x64xf32, #tpu.memory_space<hbm>>) target(%dma_start3A_19 : memref<128x64xf32, #tpu.memory_space<vmem>>) offsets(%dma_start3A_22 : memref<128xi32, #tpu.memory_space<vmem>>) semaphore(%arg8 : memref<!tpu.dma_semaphore, #tpu.memory_space<semaphore_mem>>)
    %dma_start3A_26 = arith.constant 2 : i32
    %dma_start3A_27 = arith.constant 2 : i32
    %dma_start3A_28 = arith.constant 0 : i32
    %dma_start3A_29 = arith.constant 0 : i32
    %dma_start3A_30 = tpu.memref_slice %arg6[%dma_start3A_27, %dma_start3A_28, %dma_start3A_29] : memref<8x128x64xf32, #tpu.memory_space<vmem>> -> memref<1x128x64xf32, #tpu.memory_space<vmem>>
    %dma_start3A_31 = tpu.memref_squeeze %dma_start3A_30 : memref<1x128x64xf32, #tpu.memory_space<vmem>> -> memref<128x64xf32, #tpu.memory_space<vmem>>
    %dma_start3A_32 = arith.constant 0 : i32
    %dma_start3A_33 = tpu.memref_slice %arg5[%dma_start3A_26, %dma_start3A_32] : memref<200x128xi32, #tpu.memory_space<vmem>> -> memref<1x128xi32, #tpu.memory_space<vmem>>
    %dma_start3A_34 = tpu.memref_squeeze %dma_start3A_33 : memref<1x128xi32, #tpu.memory_space<vmem>> -> memref<128xi32, #tpu.memory_space<vmem>>
    %dma_start3A_35 = arith.constant 0 : i32
    %dma_start3A_36 = arith.constant 0 : i32
    %dma_start3A_37 = tpu.memref_slice %arg2[%dma_start3A_35, %dma_start3A_36] : memref<1000000x64xf32, #tpu.memory_space<hbm>> -> memref<1000000x64xf32, #tpu.memory_space<hbm>>
    tpu.enqueue_indirect_dma source(%dma_start3A_37 : memref<1000000x64xf32, #tpu.memory_space<hbm>>) target(%dma_start3A_31 : memref<128x64xf32, #tpu.memory_space<vmem>>) offsets(%dma_start3A_34 : memref<128xi32, #tpu.memory_space<vmem>>) semaphore(%arg9 : memref<!tpu.dma_semaphore, #tpu.memory_space<semaphore_mem>>)
    %dma_start3A_38 = arith.constant 3 : i32
    %dma_start3A_39 = arith.constant 3 : i32
    %dma_start3A_40 = arith.constant 0 : i32
    %dma_start3A_41 = arith.constant 0 : i32
    %dma_start3A_42 = tpu.memref_slice %arg6[%dma_start3A_39, %dma_start3A_40, %dma_start3A_41] : memref<8x128x64xf32, #tpu.memory_space<vmem>> -> memref<1x128x64xf32, #tpu.memory_space<vmem>>
    %dma_start3A_43 = tpu.memref_squeeze %dma_start3A_42 : memref<1x128x64xf32, #tpu.memory_space<vmem>> -> memref<128x64xf32, #tpu.memory_space<vmem>>
    %dma_start3A_44 = arith.constant 0 : i32
    %dma_start3A_45 = tpu.memref_slice %arg5[%dma_start3A_38, %dma_start3A_44] : memref<200x128xi32, #tpu.memory_space<vmem>> -> memref<1x128xi32, #tpu.memory_space<vmem>>
    %dma_start3A_46 = tpu.memref_squeeze %dma_start3A_45 : memref<1x128xi32, #tpu.memory_space<vmem>> -> memref<128xi32, #tpu.memory_space<vmem>>
    %dma_start3A_47 = arith.constant 0 : i32
    %dma_start3A_48 = arith.constant 0 : i32
    %dma_start3A_49 = tpu.memref_slice %arg2[%dma_start3A_47, %dma_start3A_48] : memref<1000000x64xf32, #tpu.memory_space<hbm>> -> memref<1000000x64xf32, #tpu.memory_space<hbm>>
    tpu.enqueue_indirect_dma source(%dma_start3A_49 : memref<1000000x64xf32, #tpu.memory_space<hbm>>) target(%dma_start3A_43 : memref<128x64xf32, #tpu.memory_space<vmem>>) offsets(%dma_start3A_46 : memref<128xi32, #tpu.memory_space<vmem>>) semaphore(%arg10 : memref<!tpu.dma_semaphore, #tpu.memory_space<semaphore_mem>>)
    %dma_start3A_50 = arith.constant 4 : i32
    %dma_start3A_51 = arith.constant 4 : i32
    %dma_start3A_52 = arith.constant 0 : i32
    %dma_start3A_53 = arith.constant 0 : i32
    %dma_start3A_54 = tpu.memref_slice %arg6[%dma_start3A_51, %dma_start3A_52, %dma_start3A_53] : memref<8x128x64xf32, #tpu.memory_space<vmem>> -> memref<1x128x64xf32, #tpu.memory_space<vmem>>
    %dma_start3A_55 = tpu.memref_squeeze %dma_start3A_54 : memref<1x128x64xf32, #tpu.memory_space<vmem>> -> memref<128x64xf32, #tpu.memory_space<vmem>>
    %dma_start3A_56 = arith.constant 0 : i32
    %dma_start3A_57 = tpu.memref_slice %arg5[%dma_start3A_50, %dma_start3A_56] : memref<200x128xi32, #tpu.memory_space<vmem>> -> memref<1x128xi32, #tpu.memory_space<vmem>>
    %dma_start3A_58 = tpu.memref_squeeze %dma_start3A_57 : memref<1x128xi32, #tpu.memory_space<vmem>> -> memref<128xi32, #tpu.memory_space<vmem>>
    %dma_start3A_59 = arith.constant 0 : i32
    %dma_start3A_60 = arith.constant 0 : i32
    %dma_start3A_61 = tpu.memref_slice %arg2[%dma_start3A_59, %dma_start3A_60] : memref<1000000x64xf32, #tpu.memory_space<hbm>> -> memref<1000000x64xf32, #tpu.memory_space<hbm>>
    tpu.enqueue_indirect_dma source(%dma_start3A_61 : memref<1000000x64xf32, #tpu.memory_space<hbm>>) target(%dma_start3A_55 : memref<128x64xf32, #tpu.memory_space<vmem>>) offsets(%dma_start3A_58 : memref<128xi32, #tpu.memory_space<vmem>>) semaphore(%arg11 : memref<!tpu.dma_semaphore, #tpu.memory_space<semaphore_mem>>)
    %dma_start3A_62 = arith.constant 5 : i32
    %dma_start3A_63 = arith.constant 5 : i32
    %dma_start3A_64 = arith.constant 0 : i32
    %dma_start3A_65 = arith.constant 0 : i32
    %dma_start3A_66 = tpu.memref_slice %arg6[%dma_start3A_63, %dma_start3A_64, %dma_start3A_65] : memref<8x128x64xf32, #tpu.memory_space<vmem>> -> memref<1x128x64xf32, #tpu.memory_space<vmem>>
    %dma_start3A_67 = tpu.memref_squeeze %dma_start3A_66 : memref<1x128x64xf32, #tpu.memory_space<vmem>> -> memref<128x64xf32, #tpu.memory_space<vmem>>
    %dma_start3A_68 = arith.constant 0 : i32
    %dma_start3A_69 = tpu.memref_slice %arg5[%dma_start3A_62, %dma_start3A_68] : memref<200x128xi32, #tpu.memory_space<vmem>> -> memref<1x128xi32, #tpu.memory_space<vmem>>
    %dma_start3A_70 = tpu.memref_squeeze %dma_start3A_69 : memref<1x128xi32, #tpu.memory_space<vmem>> -> memref<128xi32, #tpu.memory_space<vmem>>
    %dma_start3A_71 = arith.constant 0 : i32
    %dma_start3A_72 = arith.constant 0 : i32
    %dma_start3A_73 = tpu.memref_slice %arg2[%dma_start3A_71, %dma_start3A_72] : memref<1000000x64xf32, #tpu.memory_space<hbm>> -> memref<1000000x64xf32, #tpu.memory_space<hbm>>
    tpu.enqueue_indirect_dma source(%dma_start3A_73 : memref<1000000x64xf32, #tpu.memory_space<hbm>>) target(%dma_start3A_67 : memref<128x64xf32, #tpu.memory_space<vmem>>) offsets(%dma_start3A_70 : memref<128xi32, #tpu.memory_space<vmem>>) semaphore(%arg12 : memref<!tpu.dma_semaphore, #tpu.memory_space<semaphore_mem>>)
    %dma_start3A_74 = arith.constant 6 : i32
    %dma_start3A_75 = arith.constant 6 : i32
    %dma_start3A_76 = arith.constant 0 : i32
    %dma_start3A_77 = arith.constant 0 : i32
    %dma_start3A_78 = tpu.memref_slice %arg6[%dma_start3A_75, %dma_start3A_76, %dma_start3A_77] : memref<8x128x64xf32, #tpu.memory_space<vmem>> -> memref<1x128x64xf32, #tpu.memory_space<vmem>>
    %dma_start3A_79 = tpu.memref_squeeze %dma_start3A_78 : memref<1x128x64xf32, #tpu.memory_space<vmem>> -> memref<128x64xf32, #tpu.memory_space<vmem>>
    %dma_start3A_80 = arith.constant 0 : i32
    %dma_start3A_81 = tpu.memref_slice %arg5[%dma_start3A_74, %dma_start3A_80] : memref<200x128xi32, #tpu.memory_space<vmem>> -> memref<1x128xi32, #tpu.memory_space<vmem>>
    %dma_start3A_82 = tpu.memref_squeeze %dma_start3A_81 : memref<1x128xi32, #tpu.memory_space<vmem>> -> memref<128xi32, #tpu.memory_space<vmem>>
    %dma_start3A_83 = arith.constant 0 : i32
    %dma_start3A_84 = arith.constant 0 : i32
    %dma_start3A_85 = tpu.memref_slice %arg2[%dma_start3A_83, %dma_start3A_84] : memref<1000000x64xf32, #tpu.memory_space<hbm>> -> memref<1000000x64xf32, #tpu.memory_space<hbm>>
    tpu.enqueue_indirect_dma source(%dma_start3A_85 : memref<1000000x64xf32, #tpu.memory_space<hbm>>) target(%dma_start3A_79 : memref<128x64xf32, #tpu.memory_space<vmem>>) offsets(%dma_start3A_82 : memref<128xi32, #tpu.memory_space<vmem>>) semaphore(%arg13 : memref<!tpu.dma_semaphore, #tpu.memory_space<semaphore_mem>>)
    %dma_start3A_86 = arith.constant 7 : i32
    %dma_start3A_87 = arith.constant 7 : i32
    %dma_start3A_88 = arith.constant 0 : i32
    %dma_start3A_89 = arith.constant 0 : i32
    %dma_start3A_90 = tpu.memref_slice %arg6[%dma_start3A_87, %dma_start3A_88, %dma_start3A_89] : memref<8x128x64xf32, #tpu.memory_space<vmem>> -> memref<1x128x64xf32, #tpu.memory_space<vmem>>
    %dma_start3A_91 = tpu.memref_squeeze %dma_start3A_90 : memref<1x128x64xf32, #tpu.memory_space<vmem>> -> memref<128x64xf32, #tpu.memory_space<vmem>>
    %dma_start3A_92 = arith.constant 0 : i32
    %dma_start3A_93 = tpu.memref_slice %arg5[%dma_start3A_86, %dma_start3A_92] : memref<200x128xi32, #tpu.memory_space<vmem>> -> memref<1x128xi32, #tpu.memory_space<vmem>>
    %dma_start3A_94 = tpu.memref_squeeze %dma_start3A_93 : memref<1x128xi32, #tpu.memory_space<vmem>> -> memref<128xi32, #tpu.memory_space<vmem>>
    %dma_start3A_95 = arith.constant 0 : i32
    %dma_start3A_96 = arith.constant 0 : i32
    %dma_start3A_97 = tpu.memref_slice %arg2[%dma_start3A_95, %dma_start3A_96] : memref<1000000x64xf32, #tpu.memory_space<hbm>> -> memref<1000000x64xf32, #tpu.memory_space<hbm>>
    tpu.enqueue_indirect_dma source(%dma_start3A_97 : memref<1000000x64xf32, #tpu.memory_space<hbm>>) target(%dma_start3A_91 : memref<128x64xf32, #tpu.memory_space<vmem>>) offsets(%dma_start3A_94 : memref<128xi32, #tpu.memory_space<vmem>>) semaphore(%arg14 : memref<!tpu.dma_semaphore, #tpu.memory_space<semaphore_mem>>)
    %scan3A = arith.constant 0 : i32
    %scan3A_98 = arith.constant 25 : i32
    %scan3A_99 = arith.addi %scan3A, %scan3A_98 : i32
    %scan3A_100 = arith.constant 1 : i32
    scf.for %scan3A_102 = %scan3A to %scan3A_99 step %scan3A_100  : i32 {
      %mul3A_103 = arith.constant 8 : i32
      %mul3A_104 = arith.muli %scan3A_102, %mul3A_103 : i32
      %add3A_105 = arith.constant 0 : i32
      %add3A_106 = arith.addi %add3A_105, %mul3A_104 : i32
      %add3A_107 = arith.constant 0 : i32
      %add3A_108 = arith.addi %add3A_106, %add3A_107 : i32
      %dma_wait3A = arith.constant 0 : i32
      %dma_wait3A_109 = arith.constant 0 : i32
      %dma_wait3A_110 = arith.constant 0 : i32
      %dma_wait3A_111 = tpu.memref_slice %arg6[%dma_wait3A, %dma_wait3A_109, %dma_wait3A_110] : memref<8x128x64xf32, #tpu.memory_space<vmem>> -> memref<1x128x64xf32, #tpu.memory_space<vmem>>
      %dma_wait3A_112 = tpu.memref_squeeze %dma_wait3A_111 : memref<1x128x64xf32, #tpu.memory_space<vmem>> -> memref<128x64xf32, #tpu.memory_space<vmem>>
      %dma_wait3A_113 = arith.constant 0 : i32
      %dma_wait3A_114 = arith.constant 0 : i32
      %dma_wait3A_115 = tpu.memref_slice %arg2[%dma_wait3A_113, %dma_wait3A_114] : memref<1000000x64xf32, #tpu.memory_space<hbm>> -> memref<128x64xf32, #tpu.memory_space<hbm>>
      %dma_wait3A_116 = arith.constant 0 : i32
      %dma_wait3A_117 = arith.constant 0 : i32
      %dma_wait3A_118 = tpu.memref_slice %arg6[%dma_wait3A, %dma_wait3A_116, %dma_wait3A_117] : memref<8x128x64xf32, #tpu.memory_space<vmem>> -> memref<1x128x64xf32, #tpu.memory_space<vmem>>
      %dma_wait3A_119 = tpu.memref_squeeze %dma_wait3A_118 : memref<1x128x64xf32, #tpu.memory_space<vmem>> -> memref<128x64xf32, #tpu.memory_space<vmem>>
      %dma_wait3A_120 = arith.constant 0 : i32
      %dma_wait3A_121 = arith.constant 0 : i32
      %dma_wait3A_122 = tpu.memref_slice %arg2[%dma_wait3A_120, %dma_wait3A_121] : memref<1000000x64xf32, #tpu.memory_space<hbm>> -> memref<128x64xf32, #tpu.memory_space<hbm>>
      tpu.wait_dma2 semaphore(%arg7 : memref<!tpu.dma_semaphore, #tpu.memory_space<semaphore_mem>>) src(%dma_wait3A_122 : memref<128x64xf32, #tpu.memory_space<hbm>>) dst(%dma_wait3A_119 : memref<128x64xf32, #tpu.memory_space<vmem>>)
      %mul3A_123 = arith.constant 128 : i32
      %mul3A_124 = arith.muli %add3A_108, %mul3A_123 : i32
      %add3A_125 = arith.addi %mul3A_2, %mul3A_124 : i32
      %run_scoped3A = arith.constant 0 : i32
      "tpu.region"() ({
        %run_scoped3A_326 = tpu.sem_alloc : memref<!tpu.dma_semaphore, #tpu.memory_space<semaphore_mem>>
        %dma_start3A_327 = arith.constant 0 : i32
        %dma_start3A_328 = arith.constant 0 : i32
        %dma_start3A_329 = tpu.memref_slice %arg6[%run_scoped3A, %dma_start3A_327, %dma_start3A_328] : memref<8x128x64xf32, #tpu.memory_space<vmem>> -> memref<1x128x64xf32, #tpu.memory_space<vmem>>
        %dma_start3A_330 = tpu.memref_squeeze %dma_start3A_329 : memref<1x128x64xf32, #tpu.memory_space<vmem>> -> memref<128x64xf32, #tpu.memory_space<vmem>>
        %dma_start3A_331 = arith.constant 0 : i32
        %dma_start3A_332 = tpu.memref_slice %arg4[%add3A_125, %dma_start3A_331] : memref<819200x128xf32, #tpu.memory_space<hbm>> -> memref<128x64xf32, #tpu.memory_space<hbm>>
        %dma_start3A_333 = arith.constant 0 : i32
        %dma_start3A_334 = tpu.memref_slice %arg4[%add3A_125, %dma_start3A_333] : memref<819200x128xf32, #tpu.memory_space<hbm>> -> memref<128x64xf32, #tpu.memory_space<hbm>>
        %dma_start3A_335 = arith.constant 0 : i32
        %dma_start3A_336 = arith.constant 0 : i32
        %dma_start3A_337 = tpu.memref_slice %arg6[%run_scoped3A, %dma_start3A_335, %dma_start3A_336] : memref<8x128x64xf32, #tpu.memory_space<vmem>> -> memref<1x128x64xf32, #tpu.memory_space<vmem>>
        %dma_start3A_338 = tpu.memref_squeeze %dma_start3A_337 : memref<1x128x64xf32, #tpu.memory_space<vmem>> -> memref<128x64xf32, #tpu.memory_space<vmem>>
        tpu.enqueue_dma source(%dma_start3A_338 : memref<128x64xf32, #tpu.memory_space<vmem>>) target(%dma_start3A_334 : memref<128x64xf32, #tpu.memory_space<hbm>>) target_semaphore(%run_scoped3A_326 : memref<!tpu.dma_semaphore, #tpu.memory_space<semaphore_mem>>)
        %dma_wait3A_339 = arith.constant 0 : i32
        %dma_wait3A_340 = arith.constant 0 : i32
        %dma_wait3A_341 = tpu.memref_slice %arg6[%run_scoped3A, %dma_wait3A_339, %dma_wait3A_340] : memref<8x128x64xf32, #tpu.memory_space<vmem>> -> memref<1x128x64xf32, #tpu.memory_space<vmem>>
        %dma_wait3A_342 = tpu.memref_squeeze %dma_wait3A_341 : memref<1x128x64xf32, #tpu.memory_space<vmem>> -> memref<128x64xf32, #tpu.memory_space<vmem>>
        %dma_wait3A_343 = arith.constant 0 : i32
        %dma_wait3A_344 = tpu.memref_slice %arg4[%add3A_125, %dma_wait3A_343] : memref<819200x128xf32, #tpu.memory_space<hbm>> -> memref<128x64xf32, #tpu.memory_space<hbm>>
        %dma_wait3A_345 = arith.constant 0 : i32
        %dma_wait3A_346 = tpu.memref_slice %arg4[%add3A_125, %dma_wait3A_345] : memref<819200x128xf32, #tpu.memory_space<hbm>> -> memref<128x64xf32, #tpu.memory_space<hbm>>
        %dma_wait3A_347 = arith.constant 0 : i32
        %dma_wait3A_348 = arith.constant 0 : i32
        %dma_wait3A_349 = tpu.memref_slice %arg6[%run_scoped3A, %dma_wait3A_347, %dma_wait3A_348] : memref<8x128x64xf32, #tpu.memory_space<vmem>> -> memref<1x128x64xf32, #tpu.memory_space<vmem>>
        %dma_wait3A_350 = tpu.memref_squeeze %dma_wait3A_349 : memref<1x128x64xf32, #tpu.memory_space<vmem>> -> memref<128x64xf32, #tpu.memory_space<vmem>>
        tpu.wait_dma2 semaphore(%run_scoped3A_326 : memref<!tpu.dma_semaphore, #tpu.memory_space<semaphore_mem>>) src(%dma_wait3A_350 : memref<128x64xf32, #tpu.memory_space<vmem>>) dst(%dma_wait3A_346 : memref<128x64xf32, #tpu.memory_space<hbm>>)
        tpu.yield
      }) : () -> ()
      %add3A_126 = arith.constant 8 : i32
      %add3A_127 = arith.addi %add3A_108, %add3A_126 : i32
      %lt3A = arith.constant 200 : i32
      %lt3A_128 = arith.cmpi slt, %add3A_127, %lt3A : i32
      %convert_element_type3A = arith.extui %lt3A_128 : i1 to i32
      %cond3A = arith.constant 0 : i32
      %cond3A_129 = arith.cmpi ne, %convert_element_type3A, %cond3A : i32
      scf.if %cond3A_129 {
        %dma_start3A_326 = arith.constant 0 : i32
        %dma_start3A_327 = arith.constant 0 : i32
        %dma_start3A_328 = arith.constant 0 : i32
        %dma_start3A_329 = tpu.memref_slice %arg6[%dma_start3A_326, %dma_start3A_327, %dma_start3A_328] : memref<8x128x64xf32, #tpu.memory_space<vmem>> -> memref<1x128x64xf32, #tpu.memory_space<vmem>>
        %dma_start3A_330 = tpu.memref_squeeze %dma_start3A_329 : memref<1x128x64xf32, #tpu.memory_space<vmem>> -> memref<128x64xf32, #tpu.memory_space<vmem>>
        %dma_start3A_331 = arith.constant 0 : i32
        %dma_start3A_332 = tpu.memref_slice %arg5[%add3A_127, %dma_start3A_331] : memref<200x128xi32, #tpu.memory_space<vmem>> -> memref<1x128xi32, #tpu.memory_space<vmem>>
        %dma_start3A_333 = tpu.memref_squeeze %dma_start3A_332 : memref<1x128xi32, #tpu.memory_space<vmem>> -> memref<128xi32, #tpu.memory_space<vmem>>
        %dma_start3A_334 = arith.constant 0 : i32
        %dma_start3A_335 = arith.constant 0 : i32
        %dma_start3A_336 = tpu.memref_slice %arg2[%dma_start3A_334, %dma_start3A_335] : memref<1000000x64xf32, #tpu.memory_space<hbm>> -> memref<1000000x64xf32, #tpu.memory_space<hbm>>
        tpu.enqueue_indirect_dma source(%dma_start3A_336 : memref<1000000x64xf32, #tpu.memory_space<hbm>>) target(%dma_start3A_330 : memref<128x64xf32, #tpu.memory_space<vmem>>) offsets(%dma_start3A_333 : memref<128xi32, #tpu.memory_space<vmem>>) semaphore(%arg7 : memref<!tpu.dma_semaphore, #tpu.memory_space<semaphore_mem>>)
      } else {
      }
      %add3A_130 = arith.constant 1 : i32
      %add3A_131 = arith.addi %add3A_106, %add3A_130 : i32
      %dma_wait3A_132 = arith.constant 1 : i32
      %dma_wait3A_133 = arith.constant 0 : i32
      %dma_wait3A_134 = arith.constant 0 : i32
      %dma_wait3A_135 = tpu.memref_slice %arg6[%dma_wait3A_132, %dma_wait3A_133, %dma_wait3A_134] : memref<8x128x64xf32, #tpu.memory_space<vmem>> -> memref<1x128x64xf32, #tpu.memory_space<vmem>>
      %dma_wait3A_136 = tpu.memref_squeeze %dma_wait3A_135 : memref<1x128x64xf32, #tpu.memory_space<vmem>> -> memref<128x64xf32, #tpu.memory_space<vmem>>
      %dma_wait3A_137 = arith.constant 0 : i32
      %dma_wait3A_138 = arith.constant 0 : i32
      %dma_wait3A_139 = tpu.memref_slice %arg2[%dma_wait3A_137, %dma_wait3A_138] : memref<1000000x64xf32, #tpu.memory_space<hbm>> -> memref<128x64xf32, #tpu.memory_space<hbm>>
      %dma_wait3A_140 = arith.constant 0 : i32
      %dma_wait3A_141 = arith.constant 0 : i32
      %dma_wait3A_142 = tpu.memref_slice %arg6[%dma_wait3A_132, %dma_wait3A_140, %dma_wait3A_141] : memref<8x128x64xf32, #tpu.memory_space<vmem>> -> memref<1x128x64xf32, #tpu.memory_space<vmem>>
      %dma_wait3A_143 = tpu.memref_squeeze %dma_wait3A_142 : memref<1x128x64xf32, #tpu.memory_space<vmem>> -> memref<128x64xf32, #tpu.memory_space<vmem>>
      %dma_wait3A_144 = arith.constant 0 : i32
      %dma_wait3A_145 = arith.constant 0 : i32
      %dma_wait3A_146 = tpu.memref_slice %arg2[%dma_wait3A_144, %dma_wait3A_145] : memref<1000000x64xf32, #tpu.memory_space<hbm>> -> memref<128x64xf32, #tpu.memory_space<hbm>>
      tpu.wait_dma2 semaphore(%arg8 : memref<!tpu.dma_semaphore, #tpu.memory_space<semaphore_mem>>) src(%dma_wait3A_146 : memref<128x64xf32, #tpu.memory_space<hbm>>) dst(%dma_wait3A_143 : memref<128x64xf32, #tpu.memory_space<vmem>>)
      %mul3A_147 = arith.constant 128 : i32
      %mul3A_148 = arith.muli %add3A_131, %mul3A_147 : i32
      %add3A_149 = arith.addi %mul3A_2, %mul3A_148 : i32
      %run_scoped3A_150 = arith.constant 1 : i32
      "tpu.region"() ({
        %run_scoped3A_326 = tpu.sem_alloc : memref<!tpu.dma_semaphore, #tpu.memory_space<semaphore_mem>>
        %dma_start3A_327 = arith.constant 0 : i32
        %dma_start3A_328 = arith.constant 0 : i32
        %dma_start3A_329 = tpu.memref_slice %arg6[%run_scoped3A_150, %dma_start3A_327, %dma_start3A_328] : memref<8x128x64xf32, #tpu.memory_space<vmem>> -> memref<1x128x64xf32, #tpu.memory_space<vmem>>
        %dma_start3A_330 = tpu.memref_squeeze %dma_start3A_329 : memref<1x128x64xf32, #tpu.memory_space<vmem>> -> memref<128x64xf32, #tpu.memory_space<vmem>>
        %dma_start3A_331 = arith.constant 0 : i32
        %dma_start3A_332 = tpu.memref_slice %arg4[%add3A_149, %dma_start3A_331] : memref<819200x128xf32, #tpu.memory_space<hbm>> -> memref<128x64xf32, #tpu.memory_space<hbm>>
        %dma_start3A_333 = arith.constant 0 : i32
        %dma_start3A_334 = tpu.memref_slice %arg4[%add3A_149, %dma_start3A_333] : memref<819200x128xf32, #tpu.memory_space<hbm>> -> memref<128x64xf32, #tpu.memory_space<hbm>>
        %dma_start3A_335 = arith.constant 0 : i32
        %dma_start3A_336 = arith.constant 0 : i32
        %dma_start3A_337 = tpu.memref_slice %arg6[%run_scoped3A_150, %dma_start3A_335, %dma_start3A_336] : memref<8x128x64xf32, #tpu.memory_space<vmem>> -> memref<1x128x64xf32, #tpu.memory_space<vmem>>
        %dma_start3A_338 = tpu.memref_squeeze %dma_start3A_337 : memref<1x128x64xf32, #tpu.memory_space<vmem>> -> memref<128x64xf32, #tpu.memory_space<vmem>>
        tpu.enqueue_dma source(%dma_start3A_338 : memref<128x64xf32, #tpu.memory_space<vmem>>) target(%dma_start3A_334 : memref<128x64xf32, #tpu.memory_space<hbm>>) target_semaphore(%run_scoped3A_326 : memref<!tpu.dma_semaphore, #tpu.memory_space<semaphore_mem>>)
        %dma_wait3A_339 = arith.constant 0 : i32
        %dma_wait3A_340 = arith.constant 0 : i32
        %dma_wait3A_341 = tpu.memref_slice %arg6[%run_scoped3A_150, %dma_wait3A_339, %dma_wait3A_340] : memref<8x128x64xf32, #tpu.memory_space<vmem>> -> memref<1x128x64xf32, #tpu.memory_space<vmem>>
        %dma_wait3A_342 = tpu.memref_squeeze %dma_wait3A_341 : memref<1x128x64xf32, #tpu.memory_space<vmem>> -> memref<128x64xf32, #tpu.memory_space<vmem>>
        %dma_wait3A_343 = arith.constant 0 : i32
        %dma_wait3A_344 = tpu.memref_slice %arg4[%add3A_149, %dma_wait3A_343] : memref<819200x128xf32, #tpu.memory_space<hbm>> -> memref<128x64xf32, #tpu.memory_space<hbm>>
        %dma_wait3A_345 = arith.constant 0 : i32
        %dma_wait3A_346 = tpu.memref_slice %arg4[%add3A_149, %dma_wait3A_345] : memref<819200x128xf32, #tpu.memory_space<hbm>> -> memref<128x64xf32, #tpu.memory_space<hbm>>
        %dma_wait3A_347 = arith.constant 0 : i32
        %dma_wait3A_348 = arith.constant 0 : i32
        %dma_wait3A_349 = tpu.memref_slice %arg6[%run_scoped3A_150, %dma_wait3A_347, %dma_wait3A_348] : memref<8x128x64xf32, #tpu.memory_space<vmem>> -> memref<1x128x64xf32, #tpu.memory_space<vmem>>
        %dma_wait3A_350 = tpu.memref_squeeze %dma_wait3A_349 : memref<1x128x64xf32, #tpu.memory_space<vmem>> -> memref<128x64xf32, #tpu.memory_space<vmem>>
        tpu.wait_dma2 semaphore(%run_scoped3A_326 : memref<!tpu.dma_semaphore, #tpu.memory_space<semaphore_mem>>) src(%dma_wait3A_350 : memref<128x64xf32, #tpu.memory_space<vmem>>) dst(%dma_wait3A_346 : memref<128x64xf32, #tpu.memory_space<hbm>>)
        tpu.yield
      }) : () -> ()
      %add3A_151 = arith.constant 8 : i32
      %add3A_152 = arith.addi %add3A_131, %add3A_151 : i32
      %lt3A_153 = arith.constant 200 : i32
      %lt3A_154 = arith.cmpi slt, %add3A_152, %lt3A_153 : i32
      %convert_element_type3A_155 = arith.extui %lt3A_154 : i1 to i32
      %cond3A_156 = arith.constant 0 : i32
      %cond3A_157 = arith.cmpi ne, %convert_element_type3A_155, %cond3A_156 : i32
      scf.if %cond3A_157 {
        %dma_start3A_326 = arith.constant 1 : i32
        %dma_start3A_327 = arith.constant 0 : i32
        %dma_start3A_328 = arith.constant 0 : i32
        %dma_start3A_329 = tpu.memref_slice %arg6[%dma_start3A_326, %dma_start3A_327, %dma_start3A_328] : memref<8x128x64xf32, #tpu.memory_space<vmem>> -> memref<1x128x64xf32, #tpu.memory_space<vmem>>
        %dma_start3A_330 = tpu.memref_squeeze %dma_start3A_329 : memref<1x128x64xf32, #tpu.memory_space<vmem>> -> memref<128x64xf32, #tpu.memory_space<vmem>>
        %dma_start3A_331 = arith.constant 0 : i32
        %dma_start3A_332 = tpu.memref_slice %arg5[%add3A_152, %dma_start3A_331] : memref<200x128xi32, #tpu.memory_space<vmem>> -> memref<1x128xi32, #tpu.memory_space<vmem>>
        %dma_start3A_333 = tpu.memref_squeeze %dma_start3A_332 : memref<1x128xi32, #tpu.memory_space<vmem>> -> memref<128xi32, #tpu.memory_space<vmem>>
        %dma_start3A_334 = arith.constant 0 : i32
        %dma_start3A_335 = arith.constant 0 : i32
        %dma_start3A_336 = tpu.memref_slice %arg2[%dma_start3A_334, %dma_start3A_335] : memref<1000000x64xf32, #tpu.memory_space<hbm>> -> memref<1000000x64xf32, #tpu.memory_space<hbm>>
        tpu.enqueue_indirect_dma source(%dma_start3A_336 : memref<1000000x64xf32, #tpu.memory_space<hbm>>) target(%dma_start3A_330 : memref<128x64xf32, #tpu.memory_space<vmem>>) offsets(%dma_start3A_333 : memref<128xi32, #tpu.memory_space<vmem>>) semaphore(%arg8 : memref<!tpu.dma_semaphore, #tpu.memory_space<semaphore_mem>>)
      } else {
      }
      %add3A_158 = arith.constant 2 : i32
      %add3A_159 = arith.addi %add3A_106, %add3A_158 : i32
      %dma_wait3A_160 = arith.constant 2 : i32
      %dma_wait3A_161 = arith.constant 0 : i32
      %dma_wait3A_162 = arith.constant 0 : i32
      %dma_wait3A_163 = tpu.memref_slice %arg6[%dma_wait3A_160, %dma_wait3A_161, %dma_wait3A_162] : memref<8x128x64xf32, #tpu.memory_space<vmem>> -> memref<1x128x64xf32, #tpu.memory_space<vmem>>
      %dma_wait3A_164 = tpu.memref_squeeze %dma_wait3A_163 : memref<1x128x64xf32, #tpu.memory_space<vmem>> -> memref<128x64xf32, #tpu.memory_space<vmem>>
      %dma_wait3A_165 = arith.constant 0 : i32
      %dma_wait3A_166 = arith.constant 0 : i32
      %dma_wait3A_167 = tpu.memref_slice %arg2[%dma_wait3A_165, %dma_wait3A_166] : memref<1000000x64xf32, #tpu.memory_space<hbm>> -> memref<128x64xf32, #tpu.memory_space<hbm>>
      %dma_wait3A_168 = arith.constant 0 : i32
      %dma_wait3A_169 = arith.constant 0 : i32
      %dma_wait3A_170 = tpu.memref_slice %arg6[%dma_wait3A_160, %dma_wait3A_168, %dma_wait3A_169] : memref<8x128x64xf32, #tpu.memory_space<vmem>> -> memref<1x128x64xf32, #tpu.memory_space<vmem>>
      %dma_wait3A_171 = tpu.memref_squeeze %dma_wait3A_170 : memref<1x128x64xf32, #tpu.memory_space<vmem>> -> memref<128x64xf32, #tpu.memory_space<vmem>>
      %dma_wait3A_172 = arith.constant 0 : i32
      %dma_wait3A_173 = arith.constant 0 : i32
      %dma_wait3A_174 = tpu.memref_slice %arg2[%dma_wait3A_172, %dma_wait3A_173] : memref<1000000x64xf32, #tpu.memory_space<hbm>> -> memref<128x64xf32, #tpu.memory_space<hbm>>
      tpu.wait_dma2 semaphore(%arg9 : memref<!tpu.dma_semaphore, #tpu.memory_space<semaphore_mem>>) src(%dma_wait3A_174 : memref<128x64xf32, #tpu.memory_space<hbm>>) dst(%dma_wait3A_171 : memref<128x64xf32, #tpu.memory_space<vmem>>)
      %mul3A_175 = arith.constant 128 : i32
      %mul3A_176 = arith.muli %add3A_159, %mul3A_175 : i32
      %add3A_177 = arith.addi %mul3A_2, %mul3A_176 : i32
      %run_scoped3A_178 = arith.constant 2 : i32
      "tpu.region"() ({
        %run_scoped3A_326 = tpu.sem_alloc : memref<!tpu.dma_semaphore, #tpu.memory_space<semaphore_mem>>
        %dma_start3A_327 = arith.constant 0 : i32
        %dma_start3A_328 = arith.constant 0 : i32
        %dma_start3A_329 = tpu.memref_slice %arg6[%run_scoped3A_178, %dma_start3A_327, %dma_start3A_328] : memref<8x128x64xf32, #tpu.memory_space<vmem>> -> memref<1x128x64xf32, #tpu.memory_space<vmem>>
        %dma_start3A_330 = tpu.memref_squeeze %dma_start3A_329 : memref<1x128x64xf32, #tpu.memory_space<vmem>> -> memref<128x64xf32, #tpu.memory_space<vmem>>
        %dma_start3A_331 = arith.constant 0 : i32
        %dma_start3A_332 = tpu.memref_slice %arg4[%add3A_177, %dma_start3A_331] : memref<819200x128xf32, #tpu.memory_space<hbm>> -> memref<128x64xf32, #tpu.memory_space<hbm>>
        %dma_start3A_333 = arith.constant 0 : i32
        %dma_start3A_334 = tpu.memref_slice %arg4[%add3A_177, %dma_start3A_333] : memref<819200x128xf32, #tpu.memory_space<hbm>> -> memref<128x64xf32, #tpu.memory_space<hbm>>
        %dma_start3A_335 = arith.constant 0 : i32
        %dma_start3A_336 = arith.constant 0 : i32
        %dma_start3A_337 = tpu.memref_slice %arg6[%run_scoped3A_178, %dma_start3A_335, %dma_start3A_336] : memref<8x128x64xf32, #tpu.memory_space<vmem>> -> memref<1x128x64xf32, #tpu.memory_space<vmem>>
        %dma_start3A_338 = tpu.memref_squeeze %dma_start3A_337 : memref<1x128x64xf32, #tpu.memory_space<vmem>> -> memref<128x64xf32, #tpu.memory_space<vmem>>
        tpu.enqueue_dma source(%dma_start3A_338 : memref<128x64xf32, #tpu.memory_space<vmem>>) target(%dma_start3A_334 : memref<128x64xf32, #tpu.memory_space<hbm>>) target_semaphore(%run_scoped3A_326 : memref<!tpu.dma_semaphore, #tpu.memory_space<semaphore_mem>>)
        %dma_wait3A_339 = arith.constant 0 : i32
        %dma_wait3A_340 = arith.constant 0 : i32
        %dma_wait3A_341 = tpu.memref_slice %arg6[%run_scoped3A_178, %dma_wait3A_339, %dma_wait3A_340] : memref<8x128x64xf32, #tpu.memory_space<vmem>> -> memref<1x128x64xf32, #tpu.memory_space<vmem>>
        %dma_wait3A_342 = tpu.memref_squeeze %dma_wait3A_341 : memref<1x128x64xf32, #tpu.memory_space<vmem>> -> memref<128x64xf32, #tpu.memory_space<vmem>>
        %dma_wait3A_343 = arith.constant 0 : i32
        %dma_wait3A_344 = tpu.memref_slice %arg4[%add3A_177, %dma_wait3A_343] : memref<819200x128xf32, #tpu.memory_space<hbm>> -> memref<128x64xf32, #tpu.memory_space<hbm>>
        %dma_wait3A_345 = arith.constant 0 : i32
        %dma_wait3A_346 = tpu.memref_slice %arg4[%add3A_177, %dma_wait3A_345] : memref<819200x128xf32, #tpu.memory_space<hbm>> -> memref<128x64xf32, #tpu.memory_space<hbm>>
        %dma_wait3A_347 = arith.constant 0 : i32
        %dma_wait3A_348 = arith.constant 0 : i32
        %dma_wait3A_349 = tpu.memref_slice %arg6[%run_scoped3A_178, %dma_wait3A_347, %dma_wait3A_348] : memref<8x128x64xf32, #tpu.memory_space<vmem>> -> memref<1x128x64xf32, #tpu.memory_space<vmem>>
        %dma_wait3A_350 = tpu.memref_squeeze %dma_wait3A_349 : memref<1x128x64xf32, #tpu.memory_space<vmem>> -> memref<128x64xf32, #tpu.memory_space<vmem>>
        tpu.wait_dma2 semaphore(%run_scoped3A_326 : memref<!tpu.dma_semaphore, #tpu.memory_space<semaphore_mem>>) src(%dma_wait3A_350 : memref<128x64xf32, #tpu.memory_space<vmem>>) dst(%dma_wait3A_346 : memref<128x64xf32, #tpu.memory_space<hbm>>)
        tpu.yield
      }) : () -> ()
      %add3A_179 = arith.constant 8 : i32
      %add3A_180 = arith.addi %add3A_159, %add3A_179 : i32
      %lt3A_181 = arith.constant 200 : i32
      %lt3A_182 = arith.cmpi slt, %add3A_180, %lt3A_181 : i32
      %convert_element_type3A_183 = arith.extui %lt3A_182 : i1 to i32
      %cond3A_184 = arith.constant 0 : i32
      %cond3A_185 = arith.cmpi ne, %convert_element_type3A_183, %cond3A_184 : i32
      scf.if %cond3A_185 {
        %dma_start3A_326 = arith.constant 2 : i32
        %dma_start3A_327 = arith.constant 0 : i32
        %dma_start3A_328 = arith.constant 0 : i32
        %dma_start3A_329 = tpu.memref_slice %arg6[%dma_start3A_326, %dma_start3A_327, %dma_start3A_328] : memref<8x128x64xf32, #tpu.memory_space<vmem>> -> memref<1x128x64xf32, #tpu.memory_space<vmem>>
        %dma_start3A_330 = tpu.memref_squeeze %dma_start3A_329 : memref<1x128x64xf32, #tpu.memory_space<vmem>> -> memref<128x64xf32, #tpu.memory_space<vmem>>
        %dma_start3A_331 = arith.constant 0 : i32
        %dma_start3A_332 = tpu.memref_slice %arg5[%add3A_180, %dma_start3A_331] : memref<200x128xi32, #tpu.memory_space<vmem>> -> memref<1x128xi32, #tpu.memory_space<vmem>>
        %dma_start3A_333 = tpu.memref_squeeze %dma_start3A_332 : memref<1x128xi32, #tpu.memory_space<vmem>> -> memref<128xi32, #tpu.memory_space<vmem>>
        %dma_start3A_334 = arith.constant 0 : i32
        %dma_start3A_335 = arith.constant 0 : i32
        %dma_start3A_336 = tpu.memref_slice %arg2[%dma_start3A_334, %dma_start3A_335] : memref<1000000x64xf32, #tpu.memory_space<hbm>> -> memref<1000000x64xf32, #tpu.memory_space<hbm>>
        tpu.enqueue_indirect_dma source(%dma_start3A_336 : memref<1000000x64xf32, #tpu.memory_space<hbm>>) target(%dma_start3A_330 : memref<128x64xf32, #tpu.memory_space<vmem>>) offsets(%dma_start3A_333 : memref<128xi32, #tpu.memory_space<vmem>>) semaphore(%arg9 : memref<!tpu.dma_semaphore, #tpu.memory_space<semaphore_mem>>)
      } else {
      }
      %add3A_186 = arith.constant 3 : i32
      %add3A_187 = arith.addi %add3A_106, %add3A_186 : i32
      %dma_wait3A_188 = arith.constant 3 : i32
      %dma_wait3A_189 = arith.constant 0 : i32
      %dma_wait3A_190 = arith.constant 0 : i32
      %dma_wait3A_191 = tpu.memref_slice %arg6[%dma_wait3A_188, %dma_wait3A_189, %dma_wait3A_190] : memref<8x128x64xf32, #tpu.memory_space<vmem>> -> memref<1x128x64xf32, #tpu.memory_space<vmem>>
      %dma_wait3A_192 = tpu.memref_squeeze %dma_wait3A_191 : memref<1x128x64xf32, #tpu.memory_space<vmem>> -> memref<128x64xf32, #tpu.memory_space<vmem>>
      %dma_wait3A_193 = arith.constant 0 : i32
      %dma_wait3A_194 = arith.constant 0 : i32
      %dma_wait3A_195 = tpu.memref_slice %arg2[%dma_wait3A_193, %dma_wait3A_194] : memref<1000000x64xf32, #tpu.memory_space<hbm>> -> memref<128x64xf32, #tpu.memory_space<hbm>>
      %dma_wait3A_196 = arith.constant 0 : i32
      %dma_wait3A_197 = arith.constant 0 : i32
      %dma_wait3A_198 = tpu.memref_slice %arg6[%dma_wait3A_188, %dma_wait3A_196, %dma_wait3A_197] : memref<8x128x64xf32, #tpu.memory_space<vmem>> -> memref<1x128x64xf32, #tpu.memory_space<vmem>>
      %dma_wait3A_199 = tpu.memref_squeeze %dma_wait3A_198 : memref<1x128x64xf32, #tpu.memory_space<vmem>> -> memref<128x64xf32, #tpu.memory_space<vmem>>
      %dma_wait3A_200 = arith.constant 0 : i32
      %dma_wait3A_201 = arith.constant 0 : i32
      %dma_wait3A_202 = tpu.memref_slice %arg2[%dma_wait3A_200, %dma_wait3A_201] : memref<1000000x64xf32, #tpu.memory_space<hbm>> -> memref<128x64xf32, #tpu.memory_space<hbm>>
      tpu.wait_dma2 semaphore(%arg10 : memref<!tpu.dma_semaphore, #tpu.memory_space<semaphore_mem>>) src(%dma_wait3A_202 : memref<128x64xf32, #tpu.memory_space<hbm>>) dst(%dma_wait3A_199 : memref<128x64xf32, #tpu.memory_space<vmem>>)
      %mul3A_203 = arith.constant 128 : i32
      %mul3A_204 = arith.muli %add3A_187, %mul3A_203 : i32
      %add3A_205 = arith.addi %mul3A_2, %mul3A_204 : i32
      %run_scoped3A_206 = arith.constant 3 : i32
      "tpu.region"() ({
        %run_scoped3A_326 = tpu.sem_alloc : memref<!tpu.dma_semaphore, #tpu.memory_space<semaphore_mem>>
        %dma_start3A_327 = arith.constant 0 : i32
        %dma_start3A_328 = arith.constant 0 : i32
        %dma_start3A_329 = tpu.memref_slice %arg6[%run_scoped3A_206, %dma_start3A_327, %dma_start3A_328] : memref<8x128x64xf32, #tpu.memory_space<vmem>> -> memref<1x128x64xf32, #tpu.memory_space<vmem>>
        %dma_start3A_330 = tpu.memref_squeeze %dma_start3A_329 : memref<1x128x64xf32, #tpu.memory_space<vmem>> -> memref<128x64xf32, #tpu.memory_space<vmem>>
        %dma_start3A_331 = arith.constant 0 : i32
        %dma_start3A_332 = tpu.memref_slice %arg4[%add3A_205, %dma_start3A_331] : memref<819200x128xf32, #tpu.memory_space<hbm>> -> memref<128x64xf32, #tpu.memory_space<hbm>>
        %dma_start3A_333 = arith.constant 0 : i32
        %dma_start3A_334 = tpu.memref_slice %arg4[%add3A_205, %dma_start3A_333] : memref<819200x128xf32, #tpu.memory_space<hbm>> -> memref<128x64xf32, #tpu.memory_space<hbm>>
        %dma_start3A_335 = arith.constant 0 : i32
        %dma_start3A_336 = arith.constant 0 : i32
        %dma_start3A_337 = tpu.memref_slice %arg6[%run_scoped3A_206, %dma_start3A_335, %dma_start3A_336] : memref<8x128x64xf32, #tpu.memory_space<vmem>> -> memref<1x128x64xf32, #tpu.memory_space<vmem>>
        %dma_start3A_338 = tpu.memref_squeeze %dma_start3A_337 : memref<1x128x64xf32, #tpu.memory_space<vmem>> -> memref<128x64xf32, #tpu.memory_space<vmem>>
        tpu.enqueue_dma source(%dma_start3A_338 : memref<128x64xf32, #tpu.memory_space<vmem>>) target(%dma_start3A_334 : memref<128x64xf32, #tpu.memory_space<hbm>>) target_semaphore(%run_scoped3A_326 : memref<!tpu.dma_semaphore, #tpu.memory_space<semaphore_mem>>)
        %dma_wait3A_339 = arith.constant 0 : i32
        %dma_wait3A_340 = arith.constant 0 : i32
        %dma_wait3A_341 = tpu.memref_slice %arg6[%run_scoped3A_206, %dma_wait3A_339, %dma_wait3A_340] : memref<8x128x64xf32, #tpu.memory_space<vmem>> -> memref<1x128x64xf32, #tpu.memory_space<vmem>>
        %dma_wait3A_342 = tpu.memref_squeeze %dma_wait3A_341 : memref<1x128x64xf32, #tpu.memory_space<vmem>> -> memref<128x64xf32, #tpu.memory_space<vmem>>
        %dma_wait3A_343 = arith.constant 0 : i32
        %dma_wait3A_344 = tpu.memref_slice %arg4[%add3A_205, %dma_wait3A_343] : memref<819200x128xf32, #tpu.memory_space<hbm>> -> memref<128x64xf32, #tpu.memory_space<hbm>>
        %dma_wait3A_345 = arith.constant 0 : i32
        %dma_wait3A_346 = tpu.memref_slice %arg4[%add3A_205, %dma_wait3A_345] : memref<819200x128xf32, #tpu.memory_space<hbm>> -> memref<128x64xf32, #tpu.memory_space<hbm>>
        %dma_wait3A_347 = arith.constant 0 : i32
        %dma_wait3A_348 = arith.constant 0 : i32
        %dma_wait3A_349 = tpu.memref_slice %arg6[%run_scoped3A_206, %dma_wait3A_347, %dma_wait3A_348] : memref<8x128x64xf32, #tpu.memory_space<vmem>> -> memref<1x128x64xf32, #tpu.memory_space<vmem>>
        %dma_wait3A_350 = tpu.memref_squeeze %dma_wait3A_349 : memref<1x128x64xf32, #tpu.memory_space<vmem>> -> memref<128x64xf32, #tpu.memory_space<vmem>>
        tpu.wait_dma2 semaphore(%run_scoped3A_326 : memref<!tpu.dma_semaphore, #tpu.memory_space<semaphore_mem>>) src(%dma_wait3A_350 : memref<128x64xf32, #tpu.memory_space<vmem>>) dst(%dma_wait3A_346 : memref<128x64xf32, #tpu.memory_space<hbm>>)
        tpu.yield
      }) : () -> ()
      %add3A_207 = arith.constant 8 : i32
      %add3A_208 = arith.addi %add3A_187, %add3A_207 : i32
      %lt3A_209 = arith.constant 200 : i32
      %lt3A_210 = arith.cmpi slt, %add3A_208, %lt3A_209 : i32
      %convert_element_type3A_211 = arith.extui %lt3A_210 : i1 to i32
      %cond3A_212 = arith.constant 0 : i32
      %cond3A_213 = arith.cmpi ne, %convert_element_type3A_211, %cond3A_212 : i32
      scf.if %cond3A_213 {
        %dma_start3A_326 = arith.constant 3 : i32
        %dma_start3A_327 = arith.constant 0 : i32
        %dma_start3A_328 = arith.constant 0 : i32
        %dma_start3A_329 = tpu.memref_slice %arg6[%dma_start3A_326, %dma_start3A_327, %dma_start3A_328] : memref<8x128x64xf32, #tpu.memory_space<vmem>> -> memref<1x128x64xf32, #tpu.memory_space<vmem>>
        %dma_start3A_330 = tpu.memref_squeeze %dma_start3A_329 : memref<1x128x64xf32, #tpu.memory_space<vmem>> -> memref<128x64xf32, #tpu.memory_space<vmem>>
        %dma_start3A_331 = arith.constant 0 : i32
        %dma_start3A_332 = tpu.memref_slice %arg5[%add3A_208, %dma_start3A_331] : memref<200x128xi32, #tpu.memory_space<vmem>> -> memref<1x128xi32, #tpu.memory_space<vmem>>
        %dma_start3A_333 = tpu.memref_squeeze %dma_start3A_332 : memref<1x128xi32, #tpu.memory_space<vmem>> -> memref<128xi32, #tpu.memory_space<vmem>>
        %dma_start3A_334 = arith.constant 0 : i32
        %dma_start3A_335 = arith.constant 0 : i32
        %dma_start3A_336 = tpu.memref_slice %arg2[%dma_start3A_334, %dma_start3A_335] : memref<1000000x64xf32, #tpu.memory_space<hbm>> -> memref<1000000x64xf32, #tpu.memory_space<hbm>>
        tpu.enqueue_indirect_dma source(%dma_start3A_336 : memref<1000000x64xf32, #tpu.memory_space<hbm>>) target(%dma_start3A_330 : memref<128x64xf32, #tpu.memory_space<vmem>>) offsets(%dma_start3A_333 : memref<128xi32, #tpu.memory_space<vmem>>) semaphore(%arg10 : memref<!tpu.dma_semaphore, #tpu.memory_space<semaphore_mem>>)
      } else {
      }
      %add3A_214 = arith.constant 4 : i32
      %add3A_215 = arith.addi %add3A_106, %add3A_214 : i32
      %dma_wait3A_216 = arith.constant 4 : i32
      %dma_wait3A_217 = arith.constant 0 : i32
      %dma_wait3A_218 = arith.constant 0 : i32
      %dma_wait3A_219 = tpu.memref_slice %arg6[%dma_wait3A_216, %dma_wait3A_217, %dma_wait3A_218] : memref<8x128x64xf32, #tpu.memory_space<vmem>> -> memref<1x128x64xf32, #tpu.memory_space<vmem>>
      %dma_wait3A_220 = tpu.memref_squeeze %dma_wait3A_219 : memref<1x128x64xf32, #tpu.memory_space<vmem>> -> memref<128x64xf32, #tpu.memory_space<vmem>>
      %dma_wait3A_221 = arith.constant 0 : i32
      %dma_wait3A_222 = arith.constant 0 : i32
      %dma_wait3A_223 = tpu.memref_slice %arg2[%dma_wait3A_221, %dma_wait3A_222] : memref<1000000x64xf32, #tpu.memory_space<hbm>> -> memref<128x64xf32, #tpu.memory_space<hbm>>
      %dma_wait3A_224 = arith.constant 0 : i32
      %dma_wait3A_225 = arith.constant 0 : i32
      %dma_wait3A_226 = tpu.memref_slice %arg6[%dma_wait3A_216, %dma_wait3A_224, %dma_wait3A_225] : memref<8x128x64xf32, #tpu.memory_space<vmem>> -> memref<1x128x64xf32, #tpu.memory_space<vmem>>
      %dma_wait3A_227 = tpu.memref_squeeze %dma_wait3A_226 : memref<1x128x64xf32, #tpu.memory_space<vmem>> -> memref<128x64xf32, #tpu.memory_space<vmem>>
      %dma_wait3A_228 = arith.constant 0 : i32
      %dma_wait3A_229 = arith.constant 0 : i32
      %dma_wait3A_230 = tpu.memref_slice %arg2[%dma_wait3A_228, %dma_wait3A_229] : memref<1000000x64xf32, #tpu.memory_space<hbm>> -> memref<128x64xf32, #tpu.memory_space<hbm>>
      tpu.wait_dma2 semaphore(%arg11 : memref<!tpu.dma_semaphore, #tpu.memory_space<semaphore_mem>>) src(%dma_wait3A_230 : memref<128x64xf32, #tpu.memory_space<hbm>>) dst(%dma_wait3A_227 : memref<128x64xf32, #tpu.memory_space<vmem>>)
      %mul3A_231 = arith.constant 128 : i32
      %mul3A_232 = arith.muli %add3A_215, %mul3A_231 : i32
      %add3A_233 = arith.addi %mul3A_2, %mul3A_232 : i32
      %run_scoped3A_234 = arith.constant 4 : i32
      "tpu.region"() ({
        %run_scoped3A_326 = tpu.sem_alloc : memref<!tpu.dma_semaphore, #tpu.memory_space<semaphore_mem>>
        %dma_start3A_327 = arith.constant 0 : i32
        %dma_start3A_328 = arith.constant 0 : i32
        %dma_start3A_329 = tpu.memref_slice %arg6[%run_scoped3A_234, %dma_start3A_327, %dma_start3A_328] : memref<8x128x64xf32, #tpu.memory_space<vmem>> -> memref<1x128x64xf32, #tpu.memory_space<vmem>>
        %dma_start3A_330 = tpu.memref_squeeze %dma_start3A_329 : memref<1x128x64xf32, #tpu.memory_space<vmem>> -> memref<128x64xf32, #tpu.memory_space<vmem>>
        %dma_start3A_331 = arith.constant 0 : i32
        %dma_start3A_332 = tpu.memref_slice %arg4[%add3A_233, %dma_start3A_331] : memref<819200x128xf32, #tpu.memory_space<hbm>> -> memref<128x64xf32, #tpu.memory_space<hbm>>
        %dma_start3A_333 = arith.constant 0 : i32
        %dma_start3A_334 = tpu.memref_slice %arg4[%add3A_233, %dma_start3A_333] : memref<819200x128xf32, #tpu.memory_space<hbm>> -> memref<128x64xf32, #tpu.memory_space<hbm>>
        %dma_start3A_335 = arith.constant 0 : i32
        %dma_start3A_336 = arith.constant 0 : i32
        %dma_start3A_337 = tpu.memref_slice %arg6[%run_scoped3A_234, %dma_start3A_335, %dma_start3A_336] : memref<8x128x64xf32, #tpu.memory_space<vmem>> -> memref<1x128x64xf32, #tpu.memory_space<vmem>>
        %dma_start3A_338 = tpu.memref_squeeze %dma_start3A_337 : memref<1x128x64xf32, #tpu.memory_space<vmem>> -> memref<128x64xf32, #tpu.memory_space<vmem>>
        tpu.enqueue_dma source(%dma_start3A_338 : memref<128x64xf32, #tpu.memory_space<vmem>>) target(%dma_start3A_334 : memref<128x64xf32, #tpu.memory_space<hbm>>) target_semaphore(%run_scoped3A_326 : memref<!tpu.dma_semaphore, #tpu.memory_space<semaphore_mem>>)
        %dma_wait3A_339 = arith.constant 0 : i32
        %dma_wait3A_340 = arith.constant 0 : i32
        %dma_wait3A_341 = tpu.memref_slice %arg6[%run_scoped3A_234, %dma_wait3A_339, %dma_wait3A_340] : memref<8x128x64xf32, #tpu.memory_space<vmem>> -> memref<1x128x64xf32, #tpu.memory_space<vmem>>
        %dma_wait3A_342 = tpu.memref_squeeze %dma_wait3A_341 : memref<1x128x64xf32, #tpu.memory_space<vmem>> -> memref<128x64xf32, #tpu.memory_space<vmem>>
        %dma_wait3A_343 = arith.constant 0 : i32
        %dma_wait3A_344 = tpu.memref_slice %arg4[%add3A_233, %dma_wait3A_343] : memref<819200x128xf32, #tpu.memory_space<hbm>> -> memref<128x64xf32, #tpu.memory_space<hbm>>
        %dma_wait3A_345 = arith.constant 0 : i32
        %dma_wait3A_346 = tpu.memref_slice %arg4[%add3A_233, %dma_wait3A_345] : memref<819200x128xf32, #tpu.memory_space<hbm>> -> memref<128x64xf32, #tpu.memory_space<hbm>>
        %dma_wait3A_347 = arith.constant 0 : i32
        %dma_wait3A_348 = arith.constant 0 : i32
        %dma_wait3A_349 = tpu.memref_slice %arg6[%run_scoped3A_234, %dma_wait3A_347, %dma_wait3A_348] : memref<8x128x64xf32, #tpu.memory_space<vmem>> -> memref<1x128x64xf32, #tpu.memory_space<vmem>>
        %dma_wait3A_350 = tpu.memref_squeeze %dma_wait3A_349 : memref<1x128x64xf32, #tpu.memory_space<vmem>> -> memref<128x64xf32, #tpu.memory_space<vmem>>
        tpu.wait_dma2 semaphore(%run_scoped3A_326 : memref<!tpu.dma_semaphore, #tpu.memory_space<semaphore_mem>>) src(%dma_wait3A_350 : memref<128x64xf32, #tpu.memory_space<vmem>>) dst(%dma_wait3A_346 : memref<128x64xf32, #tpu.memory_space<hbm>>)
        tpu.yield
      }) : () -> ()
      %add3A_235 = arith.constant 8 : i32
      %add3A_236 = arith.addi %add3A_215, %add3A_235 : i32
      %lt3A_237 = arith.constant 200 : i32
      %lt3A_238 = arith.cmpi slt, %add3A_236, %lt3A_237 : i32
      %convert_element_type3A_239 = arith.extui %lt3A_238 : i1 to i32
      %cond3A_240 = arith.constant 0 : i32
      %cond3A_241 = arith.cmpi ne, %convert_element_type3A_239, %cond3A_240 : i32
      scf.if %cond3A_241 {
        %dma_start3A_326 = arith.constant 4 : i32
        %dma_start3A_327 = arith.constant 0 : i32
        %dma_start3A_328 = arith.constant 0 : i32
        %dma_start3A_329 = tpu.memref_slice %arg6[%dma_start3A_326, %dma_start3A_327, %dma_start3A_328] : memref<8x128x64xf32, #tpu.memory_space<vmem>> -> memref<1x128x64xf32, #tpu.memory_space<vmem>>
        %dma_start3A_330 = tpu.memref_squeeze %dma_start3A_329 : memref<1x128x64xf32, #tpu.memory_space<vmem>> -> memref<128x64xf32, #tpu.memory_space<vmem>>
        %dma_start3A_331 = arith.constant 0 : i32
        %dma_start3A_332 = tpu.memref_slice %arg5[%add3A_236, %dma_start3A_331] : memref<200x128xi32, #tpu.memory_space<vmem>> -> memref<1x128xi32, #tpu.memory_space<vmem>>
        %dma_start3A_333 = tpu.memref_squeeze %dma_start3A_332 : memref<1x128xi32, #tpu.memory_space<vmem>> -> memref<128xi32, #tpu.memory_space<vmem>>
        %dma_start3A_334 = arith.constant 0 : i32
        %dma_start3A_335 = arith.constant 0 : i32
        %dma_start3A_336 = tpu.memref_slice %arg2[%dma_start3A_334, %dma_start3A_335] : memref<1000000x64xf32, #tpu.memory_space<hbm>> -> memref<1000000x64xf32, #tpu.memory_space<hbm>>
        tpu.enqueue_indirect_dma source(%dma_start3A_336 : memref<1000000x64xf32, #tpu.memory_space<hbm>>) target(%dma_start3A_330 : memref<128x64xf32, #tpu.memory_space<vmem>>) offsets(%dma_start3A_333 : memref<128xi32, #tpu.memory_space<vmem>>) semaphore(%arg11 : memref<!tpu.dma_semaphore, #tpu.memory_space<semaphore_mem>>)
      } else {
      }
      %add3A_242 = arith.constant 5 : i32
      %add3A_243 = arith.addi %add3A_106, %add3A_242 : i32
      %dma_wait3A_244 = arith.constant 5 : i32
      %dma_wait3A_245 = arith.constant 0 : i32
      %dma_wait3A_246 = arith.constant 0 : i32
      %dma_wait3A_247 = tpu.memref_slice %arg6[%dma_wait3A_244, %dma_wait3A_245, %dma_wait3A_246] : memref<8x128x64xf32, #tpu.memory_space<vmem>> -> memref<1x128x64xf32, #tpu.memory_space<vmem>>
      %dma_wait3A_248 = tpu.memref_squeeze %dma_wait3A_247 : memref<1x128x64xf32, #tpu.memory_space<vmem>> -> memref<128x64xf32, #tpu.memory_space<vmem>>
      %dma_wait3A_249 = arith.constant 0 : i32
      %dma_wait3A_250 = arith.constant 0 : i32
      %dma_wait3A_251 = tpu.memref_slice %arg2[%dma_wait3A_249, %dma_wait3A_250] : memref<1000000x64xf32, #tpu.memory_space<hbm>> -> memref<128x64xf32, #tpu.memory_space<hbm>>
      %dma_wait3A_252 = arith.constant 0 : i32
      %dma_wait3A_253 = arith.constant 0 : i32
      %dma_wait3A_254 = tpu.memref_slice %arg6[%dma_wait3A_244, %dma_wait3A_252, %dma_wait3A_253] : memref<8x128x64xf32, #tpu.memory_space<vmem>> -> memref<1x128x64xf32, #tpu.memory_space<vmem>>
      %dma_wait3A_255 = tpu.memref_squeeze %dma_wait3A_254 : memref<1x128x64xf32, #tpu.memory_space<vmem>> -> memref<128x64xf32, #tpu.memory_space<vmem>>
      %dma_wait3A_256 = arith.constant 0 : i32
      %dma_wait3A_257 = arith.constant 0 : i32
      %dma_wait3A_258 = tpu.memref_slice %arg2[%dma_wait3A_256, %dma_wait3A_257] : memref<1000000x64xf32, #tpu.memory_space<hbm>> -> memref<128x64xf32, #tpu.memory_space<hbm>>
      tpu.wait_dma2 semaphore(%arg12 : memref<!tpu.dma_semaphore, #tpu.memory_space<semaphore_mem>>) src(%dma_wait3A_258 : memref<128x64xf32, #tpu.memory_space<hbm>>) dst(%dma_wait3A_255 : memref<128x64xf32, #tpu.memory_space<vmem>>)
      %mul3A_259 = arith.constant 128 : i32
      %mul3A_260 = arith.muli %add3A_243, %mul3A_259 : i32
      %add3A_261 = arith.addi %mul3A_2, %mul3A_260 : i32
      %run_scoped3A_262 = arith.constant 5 : i32
      "tpu.region"() ({
        %run_scoped3A_326 = tpu.sem_alloc : memref<!tpu.dma_semaphore, #tpu.memory_space<semaphore_mem>>
        %dma_start3A_327 = arith.constant 0 : i32
        %dma_start3A_328 = arith.constant 0 : i32
        %dma_start3A_329 = tpu.memref_slice %arg6[%run_scoped3A_262, %dma_start3A_327, %dma_start3A_328] : memref<8x128x64xf32, #tpu.memory_space<vmem>> -> memref<1x128x64xf32, #tpu.memory_space<vmem>>
        %dma_start3A_330 = tpu.memref_squeeze %dma_start3A_329 : memref<1x128x64xf32, #tpu.memory_space<vmem>> -> memref<128x64xf32, #tpu.memory_space<vmem>>
        %dma_start3A_331 = arith.constant 0 : i32
        %dma_start3A_332 = tpu.memref_slice %arg4[%add3A_261, %dma_start3A_331] : memref<819200x128xf32, #tpu.memory_space<hbm>> -> memref<128x64xf32, #tpu.memory_space<hbm>>
        %dma_start3A_333 = arith.constant 0 : i32
        %dma_start3A_334 = tpu.memref_slice %arg4[%add3A_261, %dma_start3A_333] : memref<819200x128xf32, #tpu.memory_space<hbm>> -> memref<128x64xf32, #tpu.memory_space<hbm>>
        %dma_start3A_335 = arith.constant 0 : i32
        %dma_start3A_336 = arith.constant 0 : i32
        %dma_start3A_337 = tpu.memref_slice %arg6[%run_scoped3A_262, %dma_start3A_335, %dma_start3A_336] : memref<8x128x64xf32, #tpu.memory_space<vmem>> -> memref<1x128x64xf32, #tpu.memory_space<vmem>>
        %dma_start3A_338 = tpu.memref_squeeze %dma_start3A_337 : memref<1x128x64xf32, #tpu.memory_space<vmem>> -> memref<128x64xf32, #tpu.memory_space<vmem>>
        tpu.enqueue_dma source(%dma_start3A_338 : memref<128x64xf32, #tpu.memory_space<vmem>>) target(%dma_start3A_334 : memref<128x64xf32, #tpu.memory_space<hbm>>) target_semaphore(%run_scoped3A_326 : memref<!tpu.dma_semaphore, #tpu.memory_space<semaphore_mem>>)
        %dma_wait3A_339 = arith.constant 0 : i32
        %dma_wait3A_340 = arith.constant 0 : i32
        %dma_wait3A_341 = tpu.memref_slice %arg6[%run_scoped3A_262, %dma_wait3A_339, %dma_wait3A_340] : memref<8x128x64xf32, #tpu.memory_space<vmem>> -> memref<1x128x64xf32, #tpu.memory_space<vmem>>
        %dma_wait3A_342 = tpu.memref_squeeze %dma_wait3A_341 : memref<1x128x64xf32, #tpu.memory_space<vmem>> -> memref<128x64xf32, #tpu.memory_space<vmem>>
        %dma_wait3A_343 = arith.constant 0 : i32
        %dma_wait3A_344 = tpu.memref_slice %arg4[%add3A_261, %dma_wait3A_343] : memref<819200x128xf32, #tpu.memory_space<hbm>> -> memref<128x64xf32, #tpu.memory_space<hbm>>
        %dma_wait3A_345 = arith.constant 0 : i32
        %dma_wait3A_346 = tpu.memref_slice %arg4[%add3A_261, %dma_wait3A_345] : memref<819200x128xf32, #tpu.memory_space<hbm>> -> memref<128x64xf32, #tpu.memory_space<hbm>>
        %dma_wait3A_347 = arith.constant 0 : i32
        %dma_wait3A_348 = arith.constant 0 : i32
        %dma_wait3A_349 = tpu.memref_slice %arg6[%run_scoped3A_262, %dma_wait3A_347, %dma_wait3A_348] : memref<8x128x64xf32, #tpu.memory_space<vmem>> -> memref<1x128x64xf32, #tpu.memory_space<vmem>>
        %dma_wait3A_350 = tpu.memref_squeeze %dma_wait3A_349 : memref<1x128x64xf32, #tpu.memory_space<vmem>> -> memref<128x64xf32, #tpu.memory_space<vmem>>
        tpu.wait_dma2 semaphore(%run_scoped3A_326 : memref<!tpu.dma_semaphore, #tpu.memory_space<semaphore_mem>>) src(%dma_wait3A_350 : memref<128x64xf32, #tpu.memory_space<vmem>>) dst(%dma_wait3A_346 : memref<128x64xf32, #tpu.memory_space<hbm>>)
        tpu.yield
      }) : () -> ()
      %add3A_263 = arith.constant 8 : i32
      %add3A_264 = arith.addi %add3A_243, %add3A_263 : i32
      %lt3A_265 = arith.constant 200 : i32
      %lt3A_266 = arith.cmpi slt, %add3A_264, %lt3A_265 : i32
      %convert_element_type3A_267 = arith.extui %lt3A_266 : i1 to i32
      %cond3A_268 = arith.constant 0 : i32
      %cond3A_269 = arith.cmpi ne, %convert_element_type3A_267, %cond3A_268 : i32
      scf.if %cond3A_269 {
        %dma_start3A_326 = arith.constant 5 : i32
        %dma_start3A_327 = arith.constant 0 : i32
        %dma_start3A_328 = arith.constant 0 : i32
        %dma_start3A_329 = tpu.memref_slice %arg6[%dma_start3A_326, %dma_start3A_327, %dma_start3A_328] : memref<8x128x64xf32, #tpu.memory_space<vmem>> -> memref<1x128x64xf32, #tpu.memory_space<vmem>>
        %dma_start3A_330 = tpu.memref_squeeze %dma_start3A_329 : memref<1x128x64xf32, #tpu.memory_space<vmem>> -> memref<128x64xf32, #tpu.memory_space<vmem>>
        %dma_start3A_331 = arith.constant 0 : i32
        %dma_start3A_332 = tpu.memref_slice %arg5[%add3A_264, %dma_start3A_331] : memref<200x128xi32, #tpu.memory_space<vmem>> -> memref<1x128xi32, #tpu.memory_space<vmem>>
        %dma_start3A_333 = tpu.memref_squeeze %dma_start3A_332 : memref<1x128xi32, #tpu.memory_space<vmem>> -> memref<128xi32, #tpu.memory_space<vmem>>
        %dma_start3A_334 = arith.constant 0 : i32
        %dma_start3A_335 = arith.constant 0 : i32
        %dma_start3A_336 = tpu.memref_slice %arg2[%dma_start3A_334, %dma_start3A_335] : memref<1000000x64xf32, #tpu.memory_space<hbm>> -> memref<1000000x64xf32, #tpu.memory_space<hbm>>
        tpu.enqueue_indirect_dma source(%dma_start3A_336 : memref<1000000x64xf32, #tpu.memory_space<hbm>>) target(%dma_start3A_330 : memref<128x64xf32, #tpu.memory_space<vmem>>) offsets(%dma_start3A_333 : memref<128xi32, #tpu.memory_space<vmem>>) semaphore(%arg12 : memref<!tpu.dma_semaphore, #tpu.memory_space<semaphore_mem>>)
      } else {
      }
      %add3A_270 = arith.constant 6 : i32
      %add3A_271 = arith.addi %add3A_106, %add3A_270 : i32
      %dma_wait3A_272 = arith.constant 6 : i32
      %dma_wait3A_273 = arith.constant 0 : i32
      %dma_wait3A_274 = arith.constant 0 : i32
      %dma_wait3A_275 = tpu.memref_slice %arg6[%dma_wait3A_272, %dma_wait3A_273, %dma_wait3A_274] : memref<8x128x64xf32, #tpu.memory_space<vmem>> -> memref<1x128x64xf32, #tpu.memory_space<vmem>>
      %dma_wait3A_276 = tpu.memref_squeeze %dma_wait3A_275 : memref<1x128x64xf32, #tpu.memory_space<vmem>> -> memref<128x64xf32, #tpu.memory_space<vmem>>
      %dma_wait3A_277 = arith.constant 0 : i32
      %dma_wait3A_278 = arith.constant 0 : i32
      %dma_wait3A_279 = tpu.memref_slice %arg2[%dma_wait3A_277, %dma_wait3A_278] : memref<1000000x64xf32, #tpu.memory_space<hbm>> -> memref<128x64xf32, #tpu.memory_space<hbm>>
      %dma_wait3A_280 = arith.constant 0 : i32
      %dma_wait3A_281 = arith.constant 0 : i32
      %dma_wait3A_282 = tpu.memref_slice %arg6[%dma_wait3A_272, %dma_wait3A_280, %dma_wait3A_281] : memref<8x128x64xf32, #tpu.memory_space<vmem>> -> memref<1x128x64xf32, #tpu.memory_space<vmem>>
      %dma_wait3A_283 = tpu.memref_squeeze %dma_wait3A_282 : memref<1x128x64xf32, #tpu.memory_space<vmem>> -> memref<128x64xf32, #tpu.memory_space<vmem>>
      %dma_wait3A_284 = arith.constant 0 : i32
      %dma_wait3A_285 = arith.constant 0 : i32
      %dma_wait3A_286 = tpu.memref_slice %arg2[%dma_wait3A_284, %dma_wait3A_285] : memref<1000000x64xf32, #tpu.memory_space<hbm>> -> memref<128x64xf32, #tpu.memory_space<hbm>>
      tpu.wait_dma2 semaphore(%arg13 : memref<!tpu.dma_semaphore, #tpu.memory_space<semaphore_mem>>) src(%dma_wait3A_286 : memref<128x64xf32, #tpu.memory_space<hbm>>) dst(%dma_wait3A_283 : memref<128x64xf32, #tpu.memory_space<vmem>>)
      %mul3A_287 = arith.constant 128 : i32
      %mul3A_288 = arith.muli %add3A_271, %mul3A_287 : i32
      %add3A_289 = arith.addi %mul3A_2, %mul3A_288 : i32
      %run_scoped3A_290 = arith.constant 6 : i32
      "tpu.region"() ({
        %run_scoped3A_326 = tpu.sem_alloc : memref<!tpu.dma_semaphore, #tpu.memory_space<semaphore_mem>>
        %dma_start3A_327 = arith.constant 0 : i32
        %dma_start3A_328 = arith.constant 0 : i32
        %dma_start3A_329 = tpu.memref_slice %arg6[%run_scoped3A_290, %dma_start3A_327, %dma_start3A_328] : memref<8x128x64xf32, #tpu.memory_space<vmem>> -> memref<1x128x64xf32, #tpu.memory_space<vmem>>
        %dma_start3A_330 = tpu.memref_squeeze %dma_start3A_329 : memref<1x128x64xf32, #tpu.memory_space<vmem>> -> memref<128x64xf32, #tpu.memory_space<vmem>>
        %dma_start3A_331 = arith.constant 0 : i32
        %dma_start3A_332 = tpu.memref_slice %arg4[%add3A_289, %dma_start3A_331] : memref<819200x128xf32, #tpu.memory_space<hbm>> -> memref<128x64xf32, #tpu.memory_space<hbm>>
        %dma_start3A_333 = arith.constant 0 : i32
        %dma_start3A_334 = tpu.memref_slice %arg4[%add3A_289, %dma_start3A_333] : memref<819200x128xf32, #tpu.memory_space<hbm>> -> memref<128x64xf32, #tpu.memory_space<hbm>>
        %dma_start3A_335 = arith.constant 0 : i32
        %dma_start3A_336 = arith.constant 0 : i32
        %dma_start3A_337 = tpu.memref_slice %arg6[%run_scoped3A_290, %dma_start3A_335, %dma_start3A_336] : memref<8x128x64xf32, #tpu.memory_space<vmem>> -> memref<1x128x64xf32, #tpu.memory_space<vmem>>
        %dma_start3A_338 = tpu.memref_squeeze %dma_start3A_337 : memref<1x128x64xf32, #tpu.memory_space<vmem>> -> memref<128x64xf32, #tpu.memory_space<vmem>>
        tpu.enqueue_dma source(%dma_start3A_338 : memref<128x64xf32, #tpu.memory_space<vmem>>) target(%dma_start3A_334 : memref<128x64xf32, #tpu.memory_space<hbm>>) target_semaphore(%run_scoped3A_326 : memref<!tpu.dma_semaphore, #tpu.memory_space<semaphore_mem>>)
        %dma_wait3A_339 = arith.constant 0 : i32
        %dma_wait3A_340 = arith.constant 0 : i32
        %dma_wait3A_341 = tpu.memref_slice %arg6[%run_scoped3A_290, %dma_wait3A_339, %dma_wait3A_340] : memref<8x128x64xf32, #tpu.memory_space<vmem>> -> memref<1x128x64xf32, #tpu.memory_space<vmem>>
        %dma_wait3A_342 = tpu.memref_squeeze %dma_wait3A_341 : memref<1x128x64xf32, #tpu.memory_space<vmem>> -> memref<128x64xf32, #tpu.memory_space<vmem>>
        %dma_wait3A_343 = arith.constant 0 : i32
        %dma_wait3A_344 = tpu.memref_slice %arg4[%add3A_289, %dma_wait3A_343] : memref<819200x128xf32, #tpu.memory_space<hbm>> -> memref<128x64xf32, #tpu.memory_space<hbm>>
        %dma_wait3A_345 = arith.constant 0 : i32
        %dma_wait3A_346 = tpu.memref_slice %arg4[%add3A_289, %dma_wait3A_345] : memref<819200x128xf32, #tpu.memory_space<hbm>> -> memref<128x64xf32, #tpu.memory_space<hbm>>
        %dma_wait3A_347 = arith.constant 0 : i32
        %dma_wait3A_348 = arith.constant 0 : i32
        %dma_wait3A_349 = tpu.memref_slice %arg6[%run_scoped3A_290, %dma_wait3A_347, %dma_wait3A_348] : memref<8x128x64xf32, #tpu.memory_space<vmem>> -> memref<1x128x64xf32, #tpu.memory_space<vmem>>
        %dma_wait3A_350 = tpu.memref_squeeze %dma_wait3A_349 : memref<1x128x64xf32, #tpu.memory_space<vmem>> -> memref<128x64xf32, #tpu.memory_space<vmem>>
        tpu.wait_dma2 semaphore(%run_scoped3A_326 : memref<!tpu.dma_semaphore, #tpu.memory_space<semaphore_mem>>) src(%dma_wait3A_350 : memref<128x64xf32, #tpu.memory_space<vmem>>) dst(%dma_wait3A_346 : memref<128x64xf32, #tpu.memory_space<hbm>>)
        tpu.yield
      }) : () -> ()
      %add3A_291 = arith.constant 8 : i32
      %add3A_292 = arith.addi %add3A_271, %add3A_291 : i32
      %lt3A_293 = arith.constant 200 : i32
      %lt3A_294 = arith.cmpi slt, %add3A_292, %lt3A_293 : i32
      %convert_element_type3A_295 = arith.extui %lt3A_294 : i1 to i32
      %cond3A_296 = arith.constant 0 : i32
      %cond3A_297 = arith.cmpi ne, %convert_element_type3A_295, %cond3A_296 : i32
      scf.if %cond3A_297 {
        %dma_start3A_326 = arith.constant 6 : i32
        %dma_start3A_327 = arith.constant 0 : i32
        %dma_start3A_328 = arith.constant 0 : i32
        %dma_start3A_329 = tpu.memref_slice %arg6[%dma_start3A_326, %dma_start3A_327, %dma_start3A_328] : memref<8x128x64xf32, #tpu.memory_space<vmem>> -> memref<1x128x64xf32, #tpu.memory_space<vmem>>
        %dma_start3A_330 = tpu.memref_squeeze %dma_start3A_329 : memref<1x128x64xf32, #tpu.memory_space<vmem>> -> memref<128x64xf32, #tpu.memory_space<vmem>>
        %dma_start3A_331 = arith.constant 0 : i32
        %dma_start3A_332 = tpu.memref_slice %arg5[%add3A_292, %dma_start3A_331] : memref<200x128xi32, #tpu.memory_space<vmem>> -> memref<1x128xi32, #tpu.memory_space<vmem>>
        %dma_start3A_333 = tpu.memref_squeeze %dma_start3A_332 : memref<1x128xi32, #tpu.memory_space<vmem>> -> memref<128xi32, #tpu.memory_space<vmem>>
        %dma_start3A_334 = arith.constant 0 : i32
        %dma_start3A_335 = arith.constant 0 : i32
        %dma_start3A_336 = tpu.memref_slice %arg2[%dma_start3A_334, %dma_start3A_335] : memref<1000000x64xf32, #tpu.memory_space<hbm>> -> memref<1000000x64xf32, #tpu.memory_space<hbm>>
        tpu.enqueue_indirect_dma source(%dma_start3A_336 : memref<1000000x64xf32, #tpu.memory_space<hbm>>) target(%dma_start3A_330 : memref<128x64xf32, #tpu.memory_space<vmem>>) offsets(%dma_start3A_333 : memref<128xi32, #tpu.memory_space<vmem>>) semaphore(%arg13 : memref<!tpu.dma_semaphore, #tpu.memory_space<semaphore_mem>>)
      } else {
      }
      %add3A_298 = arith.constant 7 : i32
      %add3A_299 = arith.addi %add3A_106, %add3A_298 : i32
      %dma_wait3A_300 = arith.constant 7 : i32
      %dma_wait3A_301 = arith.constant 0 : i32
      %dma_wait3A_302 = arith.constant 0 : i32
      %dma_wait3A_303 = tpu.memref_slice %arg6[%dma_wait3A_300, %dma_wait3A_301, %dma_wait3A_302] : memref<8x128x64xf32, #tpu.memory_space<vmem>> -> memref<1x128x64xf32, #tpu.memory_space<vmem>>
      %dma_wait3A_304 = tpu.memref_squeeze %dma_wait3A_303 : memref<1x128x64xf32, #tpu.memory_space<vmem>> -> memref<128x64xf32, #tpu.memory_space<vmem>>
      %dma_wait3A_305 = arith.constant 0 : i32
      %dma_wait3A_306 = arith.constant 0 : i32
      %dma_wait3A_307 = tpu.memref_slice %arg2[%dma_wait3A_305, %dma_wait3A_306] : memref<1000000x64xf32, #tpu.memory_space<hbm>> -> memref<128x64xf32, #tpu.memory_space<hbm>>
      %dma_wait3A_308 = arith.constant 0 : i32
      %dma_wait3A_309 = arith.constant 0 : i32
      %dma_wait3A_310 = tpu.memref_slice %arg6[%dma_wait3A_300, %dma_wait3A_308, %dma_wait3A_309] : memref<8x128x64xf32, #tpu.memory_space<vmem>> -> memref<1x128x64xf32, #tpu.memory_space<vmem>>
      %dma_wait3A_311 = tpu.memref_squeeze %dma_wait3A_310 : memref<1x128x64xf32, #tpu.memory_space<vmem>> -> memref<128x64xf32, #tpu.memory_space<vmem>>
      %dma_wait3A_312 = arith.constant 0 : i32
      %dma_wait3A_313 = arith.constant 0 : i32
      %dma_wait3A_314 = tpu.memref_slice %arg2[%dma_wait3A_312, %dma_wait3A_313] : memref<1000000x64xf32, #tpu.memory_space<hbm>> -> memref<128x64xf32, #tpu.memory_space<hbm>>
      tpu.wait_dma2 semaphore(%arg14 : memref<!tpu.dma_semaphore, #tpu.memory_space<semaphore_mem>>) src(%dma_wait3A_314 : memref<128x64xf32, #tpu.memory_space<hbm>>) dst(%dma_wait3A_311 : memref<128x64xf32, #tpu.memory_space<vmem>>)
      %mul3A_315 = arith.constant 128 : i32
      %mul3A_316 = arith.muli %add3A_299, %mul3A_315 : i32
      %add3A_317 = arith.addi %mul3A_2, %mul3A_316 : i32
      %run_scoped3A_318 = arith.constant 7 : i32
      "tpu.region"() ({
        %run_scoped3A_326 = tpu.sem_alloc : memref<!tpu.dma_semaphore, #tpu.memory_space<semaphore_mem>>
        %dma_start3A_327 = arith.constant 0 : i32
        %dma_start3A_328 = arith.constant 0 : i32
        %dma_start3A_329 = tpu.memref_slice %arg6[%run_scoped3A_318, %dma_start3A_327, %dma_start3A_328] : memref<8x128x64xf32, #tpu.memory_space<vmem>> -> memref<1x128x64xf32, #tpu.memory_space<vmem>>
        %dma_start3A_330 = tpu.memref_squeeze %dma_start3A_329 : memref<1x128x64xf32, #tpu.memory_space<vmem>> -> memref<128x64xf32, #tpu.memory_space<vmem>>
        %dma_start3A_331 = arith.constant 0 : i32
        %dma_start3A_332 = tpu.memref_slice %arg4[%add3A_317, %dma_start3A_331] : memref<819200x128xf32, #tpu.memory_space<hbm>> -> memref<128x64xf32, #tpu.memory_space<hbm>>
        %dma_start3A_333 = arith.constant 0 : i32
        %dma_start3A_334 = tpu.memref_slice %arg4[%add3A_317, %dma_start3A_333] : memref<819200x128xf32, #tpu.memory_space<hbm>> -> memref<128x64xf32, #tpu.memory_space<hbm>>
        %dma_start3A_335 = arith.constant 0 : i32
        %dma_start3A_336 = arith.constant 0 : i32
        %dma_start3A_337 = tpu.memref_slice %arg6[%run_scoped3A_318, %dma_start3A_335, %dma_start3A_336] : memref<8x128x64xf32, #tpu.memory_space<vmem>> -> memref<1x128x64xf32, #tpu.memory_space<vmem>>
        %dma_start3A_338 = tpu.memref_squeeze %dma_start3A_337 : memref<1x128x64xf32, #tpu.memory_space<vmem>> -> memref<128x64xf32, #tpu.memory_space<vmem>>
        tpu.enqueue_dma source(%dma_start3A_338 : memref<128x64xf32, #tpu.memory_space<vmem>>) target(%dma_start3A_334 : memref<128x64xf32, #tpu.memory_space<hbm>>) target_semaphore(%run_scoped3A_326 : memref<!tpu.dma_semaphore, #tpu.memory_space<semaphore_mem>>)
        %dma_wait3A_339 = arith.constant 0 : i32
        %dma_wait3A_340 = arith.constant 0 : i32
        %dma_wait3A_341 = tpu.memref_slice %arg6[%run_scoped3A_318, %dma_wait3A_339, %dma_wait3A_340] : memref<8x128x64xf32, #tpu.memory_space<vmem>> -> memref<1x128x64xf32, #tpu.memory_space<vmem>>
        %dma_wait3A_342 = tpu.memref_squeeze %dma_wait3A_341 : memref<1x128x64xf32, #tpu.memory_space<vmem>> -> memref<128x64xf32, #tpu.memory_space<vmem>>
        %dma_wait3A_343 = arith.constant 0 : i32
        %dma_wait3A_344 = tpu.memref_slice %arg4[%add3A_317, %dma_wait3A_343] : memref<819200x128xf32, #tpu.memory_space<hbm>> -> memref<128x64xf32, #tpu.memory_space<hbm>>
        %dma_wait3A_345 = arith.constant 0 : i32
        %dma_wait3A_346 = tpu.memref_slice %arg4[%add3A_317, %dma_wait3A_345] : memref<819200x128xf32, #tpu.memory_space<hbm>> -> memref<128x64xf32, #tpu.memory_space<hbm>>
        %dma_wait3A_347 = arith.constant 0 : i32
        %dma_wait3A_348 = arith.constant 0 : i32
        %dma_wait3A_349 = tpu.memref_slice %arg6[%run_scoped3A_318, %dma_wait3A_347, %dma_wait3A_348] : memref<8x128x64xf32, #tpu.memory_space<vmem>> -> memref<1x128x64xf32, #tpu.memory_space<vmem>>
        %dma_wait3A_350 = tpu.memref_squeeze %dma_wait3A_349 : memref<1x128x64xf32, #tpu.memory_space<vmem>> -> memref<128x64xf32, #tpu.memory_space<vmem>>
        tpu.wait_dma2 semaphore(%run_scoped3A_326 : memref<!tpu.dma_semaphore, #tpu.memory_space<semaphore_mem>>) src(%dma_wait3A_350 : memref<128x64xf32, #tpu.memory_space<vmem>>) dst(%dma_wait3A_346 : memref<128x64xf32, #tpu.memory_space<hbm>>)
        tpu.yield
      }) : () -> ()
      %add3A_319 = arith.constant 8 : i32
      %add3A_320 = arith.addi %add3A_299, %add3A_319 : i32
      %lt3A_321 = arith.constant 200 : i32
      %lt3A_322 = arith.cmpi slt, %add3A_320, %lt3A_321 : i32
      %convert_element_type3A_323 = arith.extui %lt3A_322 : i1 to i32
      %cond3A_324 = arith.constant 0 : i32
      %cond3A_325 = arith.cmpi ne, %convert_element_type3A_323, %cond3A_324 : i32
      scf.if %cond3A_325 {
        %dma_start3A_326 = arith.constant 7 : i32
        %dma_start3A_327 = arith.constant 0 : i32
        %dma_start3A_328 = arith.constant 0 : i32
        %dma_start3A_329 = tpu.memref_slice %arg6[%dma_start3A_326, %dma_start3A_327, %dma_start3A_328] : memref<8x128x64xf32, #tpu.memory_space<vmem>> -> memref<1x128x64xf32, #tpu.memory_space<vmem>>
        %dma_start3A_330 = tpu.memref_squeeze %dma_start3A_329 : memref<1x128x64xf32, #tpu.memory_space<vmem>> -> memref<128x64xf32, #tpu.memory_space<vmem>>
        %dma_start3A_331 = arith.constant 0 : i32
        %dma_start3A_332 = tpu.memref_slice %arg5[%add3A_320, %dma_start3A_331] : memref<200x128xi32, #tpu.memory_space<vmem>> -> memref<1x128xi32, #tpu.memory_space<vmem>>
        %dma_start3A_333 = tpu.memref_squeeze %dma_start3A_332 : memref<1x128xi32, #tpu.memory_space<vmem>> -> memref<128xi32, #tpu.memory_space<vmem>>
        %dma_start3A_334 = arith.constant 0 : i32
        %dma_start3A_335 = arith.constant 0 : i32
        %dma_start3A_336 = tpu.memref_slice %arg2[%dma_start3A_334, %dma_start3A_335] : memref<1000000x64xf32, #tpu.memory_space<hbm>> -> memref<1000000x64xf32, #tpu.memory_space<hbm>>
        tpu.enqueue_indirect_dma source(%dma_start3A_336 : memref<1000000x64xf32, #tpu.memory_space<hbm>>) target(%dma_start3A_330 : memref<128x64xf32, #tpu.memory_space<vmem>>) offsets(%dma_start3A_333 : memref<128xi32, #tpu.memory_space<vmem>>) semaphore(%arg14 : memref<!tpu.dma_semaphore, #tpu.memory_space<semaphore_mem>>)
      } else {
      }
    }
    %scan3A_101 = arith.constant 25 : i32
    return
  }
}

</mosaic_0001>

<sc_bundles>
// kernel: kernel.3.cloned.1.call-start
scs
__scs_entry_jumppad:
0x0: {  	(pc) =	sbr.rel $0x88, $3  }
0x1: {  	(tag) =	ssettag $0x0;
	lr =	simm.s32 $0x1  }
0x2: {  	[smem:$0x3F9F] =	sst lr;
	_ =	strace $0xD0000000  }
0x3: {  	_ = 	snop  }
0x4: {  	_ = 	snop  }
0x5: {  	_ = 	snop  }
0x6: {  	_ = 	snop  }
0x7: {  	_ = 	snop  }
__scs_overlays_trampoline_lowered:
0x8: {  	[smem:$0x3FAE] =	sst s0  }
0x9: {  	[smem:$0x3FAF] =	sst s1  }
0xa: {  	[smem:$0x3FB0] =	sst s2  }
0xb: {  	[smem:$0x3FB1] =	sst s3  }
0xc: {  	[smem:$0x3FB2] =	sst s4  }
0xd: {  	[smem:$0x3FB3] =	sst s5  }
0xe: {  	[smem:$0x3FB4] =	sst s6  }
0xf: {  	[smem:$0x3FB5] =	sst s7  }
0x10: {  	[smem:$0x3FB6] =	sst s8  }
0x11: {  	[smem:$0x3FB7] =	sst s9;
	s0 =	simm.s32 @!p0 $0x0  }
0x12: {  	s1 =	sld [smem:$0x3F9D];
	s0 =	simm.s32 @p0 $0x1  }
0x13: {  	[smem:$0x3FB8] =	sst s0;
	s0 =	simm.s32 @!p1 $0x0  }
0x14: {  	s2 =	sld [smem:$0x3F9C];
	s0 =	simm.s32 @p1 $0x1  }
0x15: {  	[smem:$0x3FB9] =	sst s0;
	s0 =	simm.s32 @!p2 $0x0  }
0x16: {  	s3 =	sld [smem:$0x3FDB];
	s0 =	simm.s32 @p2 $0x1  }
0x17: {  	s4 =	simm.s32 $0x1BF5;
	[smem:$0x3FBB] =	sst s0  }
0x18: {  	s0 =	sld [smem:$0x3F9E];
	_ =	swait.ge [sflag:s4], $0x0  }
0x19: {  	s7 =	sld [smem:$0x3F9F]  }
0x1a: {  	s8 =	sadd.s32 $0xFFFFE003, lr  }
0x1b: {  	s9 =	sadd.s32 $0xFFFFFEF7, lr;
	s5 =	simm.s32 $0xFFFFFFFF;
	p2 =	slt.u32 s8, $0xFFFFF086  }
0x1c: {  	p1 =	slt.u32 s9, $0xF7A;
	s5 =	simm.s32 @!p2 $0x0  }
0x1d: {  	s5 =	simm.s32 @p1 $0x1;
	p0 =	seq.s32 s7, s2  }
0x1e: {  	s7 =	smul.u32 @!p0 $0xF7A, s2;
	p2 =	seq.s32 @!p0 s5, $0x0  }
0x1f: {  	s9 =	smul.u32 $0xF7A, s1;
	s8 =	simm.s32 @!p0 $0x1BF5;
	p2 =	por !p2, p0  }
0x20: {  	[sflag:s8] =	ssyncset.s32 @!p0 $0xFFFFF086;
	s6 =	sadd.s32 @!p0 s3, s7;
	s7 =	simm.s32 @!p0 $0x108  }
0x21: {  	s3 =	sadd.s32 s3, s9;
	s6 =	sadd.s32 @!p0 $0x88, s6;
	s7 =	simm.s32 @p2 $0x1082  }
0x22: {  	[simem:s7], [sflag:s8] =	dma.local @!p0 [hbm:s6], $0xF7A  }
0x23: {  	s9 =	sor.u32 $0xD0000000, s2;
	s6 =	simm.s32 $0x108;
	_ =	swait.ge @!p0 [sflag:s8], $0x0  }
0x24: {  	s3 =	sadd.s32 $0x88, s3;
	s6 =	simm.s32 @!p1 $0x1082;
	[sflag:s4] =	ssyncset.s32 $0xFFFFF086  }
0x25: {  	[simem:s6], [sflag:s4] =	dma.local [hbm:s3], $0xF7A  }
0x26: {  	[smem:$0x3F9F] =	sst s1;
	(tag) =	ssettag s2;
	_ =	strace s9  }
0x27: {  	s1 =	sld [smem:$0x3FAF]  }
0x28: {  	s2 =	sld [smem:$0x3FB0]  }
0x29: {  	s4 =	sld [smem:$0x3FB2]  }
0x2a: {  	p0 =	seq.s32 s5, $0x0;
	s5 =	sld [smem:$0x3FB3]  }
0x2b: {  	s6 =	sld [smem:$0x3FB4]  }
0x2c: {  	s7 =	sld [smem:$0x3FB5]  }
0x2d: {  	s3 =	simm.s32 $0x108;
	s8 =	sld [smem:$0x3FB6]  }
0x2e: {  	s3 =	simm.s32 @!p0 $0x1082;
	s9 =	sld [smem:$0x3FB7]  }
0x2f: {  	lr =	sadd.s32 s0, s3;
	s0 =	sld [smem:$0x3FAE]  }
0x30: {  	s3 =	sld [smem:$0x3FB1]  }
0x31: {  	[smem:$0x3FBA] =	sst s10  }
0x32: {  	s10 =	sld [smem:$0x3FB8];
	_ =	sdelay $0x3  }
0x33: {  	p0 =	seq.s32 s10, $0x1;
	s10 =	sld [smem:$0x3FBA];
	_ =	sdelay $0x3  }
0x34: {  	[smem:$0x3FBA] =	sst s10  }
0x35: {  	s10 =	sld [smem:$0x3FB9];
	_ =	sdelay $0x3  }
0x36: {  	p1 =	seq.s32 s10, $0x1;
	s10 =	sld [smem:$0x3FBA];
	_ =	sdelay $0x3  }
0x37: {  	[smem:$0x3FBA] =	sst s10  }
0x38: {  	s10 =	sld [smem:$0x3FBB]  }
0x39: {  	_ = 	snop;
	(pc) =	sbr.ind lr, $3  }
0x3a: {  	_ = 	snop  }
0x3b: {  	_ = 	snop  }
0x3c: {  	p2 =	seq.s32 s10, $0x1;
	s10 =	sld [smem:$0x3FBA]  }
0x3d: {  	_ =	shalt  }
0x3e: {  	_ =	shalt  }
0x3f: {  	_ =	shalt  }
0x40: {  	_ =	shalt  }
0x41: {  	_ =	shalt  }
0x42: {  	_ =	shalt  }
0x43: {  	_ =	shalt  }
0x44: {  	_ =	shalt  }
0x45: {  	_ =	shalt  }
0x46: {  	_ =	shalt  }
0x47: {  	_ =	shalt  }
0x48: {  	_ =	shalt  }
0x49: {  	_ =	shalt  }
0x4a: {  	_ =	shalt  }
0x4b: {  	_ =	shalt  }
0x4c: {  	_ =	shalt  }
0x4d: {  	_ =	shalt  }
0x4e: {  	_ =	shalt  }
0x4f: {  	_ =	shalt  }
0x50: {  	_ =	shalt  }
0x51: {  	_ =	shalt  }
0x52: {  	_ =	shalt  }
0x53: {  	_ =	shalt  }
0x54: {  	_ =	shalt  }
0x55: {  	_ =	shalt  }
0x56: {  	_ =	shalt  }
0x57: {  	_ =	shalt  }
0x58: {  	_ =	shalt  }
0x59: {  	_ =	shalt  }
0x5a: {  	_ =	shalt  }
0x5b: {  	_ =	shalt  }
0x5c: {  	_ =	shalt  }
0x5d: {  	_ =	shalt  }
0x5e: {  	_ =	shalt  }
0x5f: {  	_ =	shalt  }
0x60: {  	_ =	shalt  }
0x61: {  	_ =	shalt  }
0x62: {  	_ =	shalt  }
0x63: {  	_ =	shalt  }
0x64: {  	_ =	shalt  }
0x65: {  	_ =	shalt  }
0x66: {  	_ =	shalt  }
0x67: {  	_ =	shalt  }
0x68: {  	_ =	shalt  }
0x69: {  	_ =	shalt  }
0x6a: {  	_ =	shalt  }
0x6b: {  	_ =	shalt  }
0x6c: {  	_ =	shalt  }
0x6d: {  	_ =	shalt  }
0x6e: {  	_ =	shalt  }
0x6f: {  	_ =	shalt  }
0x70: {  	_ =	shalt  }
0x71: {  	_ =	shalt  }
0x72: {  	_ =	shalt  }
0x73: {  	_ =	shalt  }
0x74: {  	_ =	shalt  }
0x75: {  	_ =	shalt  }
0x76: {  	_ =	shalt  }
0x77: {  	_ =	shalt  }
0x78: {  	_ =	shalt  }
0x79: {  	_ =	shalt  }
0x7a: {  	_ =	shalt  }
0x7b: {  	_ =	shalt  }
0x7c: {  	_ =	shalt  }
0x7d: {  	_ =	shalt  }
0x7e: {  	_ =	shalt  }
0x7f: {  	_ =	shalt  }
0x80: {  	_ =	shalt  }
0x81: {  	_ =	shalt  }
0x82: {  	_ =	shalt  }
0x83: {  	_ =	shalt  }
0x84: {  	_ =	shalt  }
0x85: {  	_ =	shalt  }
0x86: {  	_ =	shalt  }
0x87: {  	_ =	shalt  }
.Lfunc_end0:
.L_simem_size_0:
called_computation.1_lowered:
.L_overlay_start_0:
0x88: {  	s2 =	sld [smem:$0x3FD9]  }
0x89: {  	s3 =	sld [smem:$0x3FFE];
	_ =	sdelay $0x1  }
0x8a: {  	s1 =	srdreg.scid  }
0x8b: {  	s0 =	sand.u32 $0x1, s1  }
0x8c: {  	s17 =	sshll.u32 s0, $0xA;
	s2 =	sadd.s32 s3, s2  }
0x8d: {  	s2 =	sadd.s32 s2, s17  }
0x8e: {  	[smem:$0x3FC6] =	sst s2  }
0x8f: {  	_ = 	snop  }
0x90: {  	s2 =	sld [smem:$0x3FD0];
	(tm) =	ssettm $0x1  }
0x91: {  	s18 =	sld [smem:$0x3FFB];
	_ =	sdelay $0x3  }
0x92: {  	_ =	strace s18  }
0x93: {  	s3 =	sld [smem:$0x3FFC];
	_ =	sdelay $0x3  }
0x94: {  	_ =	strace s3  }
0x95: {  	s3 =	sld [smem:$0x3FFD];
	_ =	sdelay $0x3  }
0x96: {  	_ =	strace s3  }
0x97: {  	_ =	strace $0x8FFFFFFF  }
0x98: {  	s19 =	sld [smem:$0x3FDB];
	_ =	sdelay $0x1  }
0x99: {  	s4 =	simm.s32 $_scs_section_size  }
0x9a: {  	s5 =	simm.s32 $_size__tile_overlayer_lowered;
	s6 =	simm.s32 $_tile_overlayer_lowered  }
0x9b: {  	s22 =	simm.s32 $0x1BFF;
	s21 =	sshll.u32 s6, $0x1;
	s3 =	sadd.s32 s4, s19  }
0x9c: {  	s7 =	simm.s32 $0x0;
	s20 =	sshll.u32 s5, $0x1;
	s5 =	sadd.s32 s21, s3  }
0x9d: {  	[timem:s7], [sflag:s22] =	dma.local [hbm:s5], s20  }
0x9e: {  	_ =	swait.ge [sflag:s22], s20  }
0x9f: {  	s4 =	ssub.s32 $0x0, s20;
	[sflag:s22] =	ssyncset.done $0x0  }
0xa0: {  	[sflag:s22] =	ssyncadd.s32 s4;
	_ =	sdelay $0x1  }
0xa1: {  	s23 =	simm.s32 $0x1B8B  }
0xa2: {  	_ =	swait.ge [sflag:s23], $0x1  }
0xa3: {  	[sflag:s23] =	ssyncset.done $0x0  }
0xa4: {  	s25 =	simm.s32 $0x1B8E;
	s24 =	sld [smem:$0x3FFE];
	[sflag:s23] =	ssyncadd.s32 $0xFFFFFFFF  }
0xa5: {  	s26 =	simm.s32 $execute0_lowered;
	[smem:$0x3FD2] =	sst s25  }
0xa6: {  	s5 =	sshll.u32 s26, $0x1;
	_ =	strace $0x80000046;
	[dreg:$0x1] =	wrdreg $0xFFFFFFFF  }
0xa7: {  	s28 =	simm.s32 $_size_execute0_lowered;
	s3 =	sadd.s32 s3, s5;
	[dreg:$0x0] =	wrdreg $0x0  }
0xa8: {  	s5 =	sshll.u32 s28, $0x1;
	[dreg:$0x2] =	wrdreg s3  }
0xa9: {  	[dreg:$0x3] =	wrdreg s5  }
0xaa: {  	[dreg:$0x4] =	wrdreg $0xC0  }
0xab: {  	_ =	task [dreg:s7], $0x5FFFF  }
0xac: {  	[dreg:$0x1] =	wrdreg $0xFFFFFFFF  }
0xad: {  	[dreg:$0x0] =	wrdreg $0x60  }
0xae: {  	[dreg:$0x2] =	wrdreg s24  }
0xaf: {  	[dreg:$0x3] =	wrdreg s2  }
0xb0: {  	[dreg:$0x4] =	wrdreg $0x9  }
0xb1: {  	_ =	task.clear_ibuf [dreg:s7], $0x5FFFF;
	_ =	strace $0x90000046  }
0xb2: {  	s29 =	simm.s32 $0x9;
	_ =	strace $0x80000048  }
0xb3: {  	_ =	swait.ge [sflag:s29], $0x1  }
0xb4: {  	[sflag:s29] =	ssyncadd.s32 $0xFFFFFFFF  }
0xb5: {  	_ =	strace $0x90000048  }
0xb6: {  	_ =	sfence  }
0xb7: {  	s30 =	sld [smem:$0x0];
	_ =	sdelay $0x2  }
0xb8: {  	s31 =	sshll.u32 s1, $0xD;
	s1 =	sshrl.u32 s1, $0x2  }
0xb9: {  	s3 =	sand.u32 $0x4000, s31;
	s1 =	sadd.s32 s1, s30  }
0xba: {  	s0 =	sor.u32 s3, s0;
	s1 =	sshll.u32 s1, $0x11  }
0xbb: {  	s0 =	sor.u32 s1, s0  }
0xbc: {  	s0 =	sadd.s32 $0x8F2B, s0  }
0xbd: {  	[sflag:s0] =	ssyncadd.remote.s32 $0x1  }
0xbe: {  	_ =	sfence.sel $0xFFFF  }
0xbf: {  	[dreg:$0x0] =	wrdreg $0xFFFFFFFF;
	(pc) =	sbr.abs _section_cstart, $3  }
0xc0: {  	[dreg:$0x1] =	wrdreg $0xFFFFFFFF  }
0xc1: {  	_ =	task.clear_ibuf [dreg:s7], $0x2FFFF;
	_ =	strace $0x9FFFFFFF  }
0xc2: {  	(tm) =	ssettm $0x7FFFFFFF  }
0xc3: {  	_ =	shalt  }
tec
execute0_lowered:
.L_overlay_start_1:
0x0: {  	(tag) =	ssettag $0x1  }
0x1: {  	s0 =	srdreg.scid  }
0x2: {  	s3 =	stileid.u32;
	s2 =	rddreg [dreg:$0x0]  }
0x3: {  	s4 =	rddreg [dreg:$0x1];
	s7 =	simm.s32 $0x0;
	s14 =	simm.s32 $0x9  }
0x4: {  	s15 =	simm.s32 $0x80;
	s19 =	simm.s32 $0xA400;
	s21 =	simm.s32 $0xC400  }
0x5: {  	s23 =	simm.s32 $0xE400;
	s28 =	simm.s32 $0x12400;
	s30 =	simm.s32 $0x14400  }
0x6: {  	s31 =	simm.s32 $0x1;
	s18 =	simm.s32 $0x3;
	s20 =	simm.s32 $0x4  }
0x7: {  	s22 =	simm.s32 $0x5;
	s29 =	simm.s32 $0x8;
	s5 =	smul.u32 $0x640000, s3  }
0x8: {  	s0 =	sand.u32 $0x1, s0;
	s1 =	sshll.u32 s3, $0x1;
	s8 =	smul.u32 $0xC800, s3  }
0x9: {  	[smem:$0x7FF] =	sst s7;
	s3 =	sadd.s32 $0xF42E00, s2;
	s6 =	smul.u32 $0x320000, s0  }
0xa: {  	s1 =	sor.u32 s0, s1;
	s24 =	ssub.s32 $0x2, s0;
	s0 =	smul.u32 $0x6400, s0  }
0xb: {  	s2 =	sadd.s32 $0xA00, s2;
	s1 =	smul.u32 $0x6400, s1;
	s9 =	sshrl.u32 s24, $0x1  }
0xc: {  	_ =	strace $0x80000047;
	s7 =	ssub.s32 s24, s9;
	s5 =	sadd.s32 s6, s5  }
0xd: {  	s0 =	sadd.s32 s0, s8;
	s24 =	simm.s32 $0x6;
	s1 =	sshrl.u32 s1, $0x3  }
0xe: {  	s25 =	sshrl.u32 s5, $0x3;
	s0 =	sshll.u32 s0, $0x4;
	s26 =	smax.u32 s7, $0x1  }
0xf: {  	s1 =	sadd.s32 s4, s1;
	[dreg:$0x4] =	wrdreg s26;
	s6 =	sadd.s32 s25, s2  }
.Ltmp0:
0x10: {  	s0 =	sadd.s32 s0, s2;
	s25 =	simm.s32 $0x10400;
	(pc) =	sbr.rel .LBB2_1-.Ltmp0, $4  }
0x11: {  	s26 =	simm.s32 $0x7;
	s4 =	simm.s32 $0x0;
	[dreg:$0x3] =	wrdreg s1  }
0x12: {  	s7 =	sadd.s32 $0x3800, s0;
	s8 =	sadd.s32 $0x3000, s0;
	s9 =	sadd.s32 $0x2800, s0  }
0x13: {  	s10 =	sadd.s32 $0x2000, s0;
	s11 =	sadd.s32 $0x1800, s0;
	s12 =	sadd.s32 $0x1000, s0  }
0x14: {  	s13 =	sadd.s32 $0x800, s0;
	s1 =	simm.s32 $0x40;
	s0 =	simm.s32 $0x2  }
.LBB2_4:
0x15: {  	s4 =	rddreg [dreg:$0x5]  }
0x16: {  	s2 =	rddreg [dreg:$0x4];
	s4 =	sadd.s32 $0x1, s4  }
0x17: {  	p0 =	sne.s32 s4, s2  }
.Ltmp1:
0x18: {  	_ = 	snop;
	(pc) =	sbr.rel @!p0 .LBB2_5-.Ltmp1, $1  }
0x19: {  	_ =	sdelay $0x3  }
.LBB2_1:
0x1a: {  	[dreg:$0x5] =	wrdreg s4  }
0x1b: {  	s2 =	simm.s32 $0x0;
	s16 =	rddreg [dreg:$0x3]  }
0x1c: {  	[tilespmem:s2], [sflag:$0x9] =	stream.linear.gather [hbm4b:s16+s2], $0x6400, $0x38;
	[tilespmem:$0x16400] =	vst v63  }
0x1d: {  	_ =	swait.ge [sflag:s14], $0x6400  }
0x1e: {  	[sflag:s14] =	ssyncset.done $0x0  }
0x1f: {  	s17 =	simm.s32 $0x6400;
	[sflag:s14] =	ssyncadd.s32 $0xFFFF9C00  }
0x20: {  	[tilespmem:s17], [sflag:$0x1] =	stream.indirect.gather [hbm4b:s3+s15], $0x40, s2, s15, $0xb8;
	[tilespmem:$0x16400] =	vst v63  }
0x21: {  	s5 =	simm.s32 $0x8400  }
0x22: {  	[tilespmem:s5], [sflag:$0x2] =	stream.indirect.gather [hbm4b:s3+s15], $0x40, s15, s15, $0xb8;
	[tilespmem:$0x16400] =	vst v63  }
0x23: {  	s16 =	simm.s32 $0x100  }
0x24: {  	[tilespmem:s19], [sflag:$0x3] =	stream.indirect.gather [hbm4b:s3+s15], $0x40, s16, s15, $0xb8;
	[tilespmem:$0x16400] =	vst v63  }
0x25: {  	s17 =	simm.s32 $0x180  }
0x26: {  	[tilespmem:s21], [sflag:$0x4] =	stream.indirect.gather [hbm4b:s3+s15], $0x40, s17, s15, $0xb8;
	[tilespmem:$0x16400] =	vst v63  }
0x27: {  	s4 =	simm.s32 $0x200  }
0x28: {  	[tilespmem:s23], [sflag:$0x5] =	stream.indirect.gather [hbm4b:s3+s15], $0x40, s4, s15, $0xb8;
	[tilespmem:$0x16400] =	vst v63  }
0x29: {  	s5 =	simm.s32 $0x280  }
0x2a: {  	[tilespmem:s25], [sflag:$0x6] =	stream.indirect.gather [hbm4b:s3+s15], $0x40, s5, s15, $0xb8;
	[tilespmem:$0x16400] =	vst v63  }
0x2b: {  	s16 =	simm.s32 $0x300  }
0x2c: {  	[tilespmem:s28], [sflag:$0x7] =	stream.indirect.gather [hbm4b:s3+s15], $0x40, s16, s15, $0xb8;
	[tilespmem:$0x16400] =	vst v63  }
0x2d: {  	s17 =	simm.s32 $0x380;
	s4 =	simm.s32 $0x400;
	s5 =	simm.s32 $0x0  }
0x2e: {  	[tilespmem:s30], [sflag:$0x8] =	stream.indirect.gather [hbm4b:s3+s15], $0x40, s17, s15, $0xb8;
	[tilespmem:$0x16400] =	vst v63  }
.LBB2_2:
0x2f: {  	_ =	swait.ge [sflag:s31], $0x2000  }
0x30: {  	[sflag:s31] =	ssyncset.done $0x0  }
0x31: {  	s2 =	sadd.s32 s5, s6;
	s16 =	simm.s32 $0x6400;
	[sflag:s31] =	ssyncadd.s32 $0xFFFFE000  }
0x32: {  	[hbm4b:s2+s1] =	stream.strided.scatter [tilespmem:s16], [sflag:$0x9], $0x2000, s15, s1, $0x38;
	[tilespmem:$0x16400] =	vst v63  }
0x33: {  	_ =	swait.ge [sflag:s14], $0x2000  }
0x34: {  	p0 =	seq.s32 s5, $0x60000;
	[sflag:s14] =	ssyncset.done $0x0  }
0x35: {  	s2 =	simm.s32 @!p0 $0x80;
	s16 =	simm.s32 @!p0 $0x6400;
	[sflag:s14] =	ssyncadd.s32 $0xFFFFE000  }
0x36: {  	[tilespmem:s16], [sflag:$0x1] =	stream.indirect.gather @!p0 [hbm4b:s3+s2], $0x40, s4, s2, $0xb8;
	[tilespmem:$0x16400] =	vst v63  }
0x37: {  	_ =	swait.ge [sflag:s0], $0x2000  }
0x38: {  	[sflag:s0] =	ssyncset.done $0x0  }
0x39: {  	s17 =	simm.s32 $0x8400;
	s16 =	sadd.s32 s5, s13;
	[sflag:s0] =	ssyncadd.s32 $0xFFFFE000  }
0x3a: {  	[hbm4b:s16+s1] =	stream.strided.scatter [tilespmem:s17], [sflag:$0x9], $0x2000, s15, s1, $0x38;
	[tilespmem:$0x16400] =	vst v63  }
0x3b: {  	_ =	swait.ge [sflag:s14], $0x2000  }
0x3c: {  	[sflag:s14] =	ssyncset.done $0x0  }
0x3d: {  	s16 =	sadd.s32 @!p0 $0x80, s4;
	s17 =	simm.s32 @!p0 $0x8400;
	[sflag:s14] =	ssyncadd.s32 $0xFFFFE000  }
0x3e: {  	[tilespmem:s17], [sflag:$0x2] =	stream.indirect.gather @!p0 [hbm4b:s3+s2], $0x40, s16, s2, $0xb8;
	[tilespmem:$0x16400] =	vst v63  }
0x3f: {  	_ =	swait.ge [sflag:s18], $0x2000  }
0x40: {  	[sflag:s18] =	ssyncset.done $0x0  }
0x41: {  	s17 =	sadd.s32 s5, s12;
	[sflag:s18] =	ssyncadd.s32 $0xFFFFE000  }
0x42: {  	[hbm4b:s17+s1] =	stream.strided.scatter [tilespmem:s19], [sflag:$0x9], $0x2000, s15, s1, $0x38;
	[tilespmem:$0x16400] =	vst v63  }
0x43: {  	_ =	swait.ge [sflag:s14], $0x2000  }
0x44: {  	[sflag:s14] =	ssyncset.done $0x0  }
0x45: {  	s16 =	sadd.s32 @!p0 $0x100, s4;
	s17 =	simm.s32 @!p0 $0xA400;
	[sflag:s14] =	ssyncadd.s32 $0xFFFFE000  }
0x46: {  	[tilespmem:s17], [sflag:$0x3] =	stream.indirect.gather @!p0 [hbm4b:s3+s2], $0x40, s16, s2, $0xb8;
	[tilespmem:$0x16400] =	vst v63  }
0x47: {  	_ =	swait.ge [sflag:s20], $0x2000  }
0x48: {  	[sflag:s20] =	ssyncset.done $0x0  }
0x49: {  	s17 =	sadd.s32 s5, s11;
	[sflag:s20] =	ssyncadd.s32 $0xFFFFE000  }
0x4a: {  	[hbm4b:s17+s1] =	stream.strided.scatter [tilespmem:s21], [sflag:$0x9], $0x2000, s15, s1, $0x38;
	[tilespmem:$0x16400] =	vst v63  }
0x4b: {  	_ =	swait.ge [sflag:s14], $0x2000  }
0x4c: {  	[sflag:s14] =	ssyncset.done $0x0  }
0x4d: {  	s16 =	sadd.s32 @!p0 $0x180, s4;
	s17 =	simm.s32 @!p0 $0xC400;
	[sflag:s14] =	ssyncadd.s32 $0xFFFFE000  }
0x4e: {  	[tilespmem:s17], [sflag:$0x4] =	stream.indirect.gather @!p0 [hbm4b:s3+s2], $0x40, s16, s2, $0xb8;
	[tilespmem:$0x16400] =	vst v63  }
0x4f: {  	_ =	swait.ge [sflag:s22], $0x2000  }
0x50: {  	[sflag:s22] =	ssyncset.done $0x0  }
0x51: {  	s17 =	sadd.s32 s5, s10;
	[sflag:s22] =	ssyncadd.s32 $0xFFFFE000  }
0x52: {  	[hbm4b:s17+s1] =	stream.strided.scatter [tilespmem:s23], [sflag:$0x9], $0x2000, s15, s1, $0x38;
	[tilespmem:$0x16400] =	vst v63  }
0x53: {  	_ =	swait.ge [sflag:s14], $0x2000  }
0x54: {  	[sflag:s14] =	ssyncset.done $0x0  }
0x55: {  	s16 =	sadd.s32 @!p0 $0x200, s4;
	s17 =	simm.s32 @!p0 $0xE400;
	[sflag:s14] =	ssyncadd.s32 $0xFFFFE000  }
0x56: {  	[tilespmem:s17], [sflag:$0x5] =	stream.indirect.gather @!p0 [hbm4b:s3+s2], $0x40, s16, s2, $0xb8;
	[tilespmem:$0x16400] =	vst v63  }
0x57: {  	_ =	swait.ge [sflag:s24], $0x2000  }
0x58: {  	[sflag:s24] =	ssyncset.done $0x0  }
0x59: {  	s17 =	sadd.s32 s5, s9;
	[sflag:s24] =	ssyncadd.s32 $0xFFFFE000  }
0x5a: {  	[hbm4b:s17+s1] =	stream.strided.scatter [tilespmem:s25], [sflag:$0x9], $0x2000, s15, s1, $0x38;
	[tilespmem:$0x16400] =	vst v63  }
0x5b: {  	_ =	swait.ge [sflag:s14], $0x2000  }
0x5c: {  	[sflag:s14] =	ssyncset.done $0x0  }
0x5d: {  	s16 =	sadd.s32 @!p0 $0x280, s4;
	s17 =	simm.s32 @!p0 $0x10400;
	[sflag:s14] =	ssyncadd.s32 $0xFFFFE000  }
0x5e: {  	[tilespmem:s17], [sflag:$0x6] =	stream.indirect.gather @!p0 [hbm4b:s3+s2], $0x40, s16, s2, $0xb8;
	[tilespmem:$0x16400] =	vst v63  }
0x5f: {  	_ =	swait.ge [sflag:s26], $0x2000  }
0x60: {  	[sflag:s26] =	ssyncset.done $0x0  }
0x61: {  	s17 =	sadd.s32 s5, s8;
	[sflag:s26] =	ssyncadd.s32 $0xFFFFE000  }
0x62: {  	[hbm4b:s17+s1] =	stream.strided.scatter [tilespmem:s28], [sflag:$0x9], $0x2000, s15, s1, $0x38;
	[tilespmem:$0x16400] =	vst v63  }
0x63: {  	_ =	swait.ge [sflag:s14], $0x2000  }
0x64: {  	[sflag:s14] =	ssyncset.done $0x0  }
0x65: {  	s16 =	sadd.s32 @!p0 $0x300, s4;
	s17 =	simm.s32 @!p0 $0x12400;
	[sflag:s14] =	ssyncadd.s32 $0xFFFFE000  }
0x66: {  	[tilespmem:s17], [sflag:$0x7] =	stream.indirect.gather @!p0 [hbm4b:s3+s2], $0x40, s16, s2, $0xb8;
	[tilespmem:$0x16400] =	vst v63  }
0x67: {  	_ =	swait.ge [sflag:s29], $0x2000  }
0x68: {  	[sflag:s29] =	ssyncset.done $0x0  }
.Ltmp2:
0x69: {  	s17 =	sadd.s32 s5, s7;
	[sflag:s29] =	ssyncadd.s32 $0xFFFFE000;
	(pc) =	sbr.rel @p0 .LBB2_4-.Ltmp2, $4  }
0x6a: {  	[hbm4b:s17+s1] =	stream.strided.scatter [tilespmem:s30], [sflag:$0x9], $0x2000, s15, s1, $0x38;
	[tilespmem:$0x16400] =	vst v63  }
0x6b: {  	_ =	swait.ge [sflag:s14], $0x2000  }
0x6c: {  	[sflag:s14] =	ssyncset.done $0x0  }
0x6d: {  	[sflag:s14] =	ssyncadd.s32 $0xFFFFE000  }
.Ltmp3:
0x6e: {  	(pc) =	sbr.rel .LBB2_2-.Ltmp3, $3  }
0x6f: {  	_ =	sdelay $0x1  }
0x70: {  	s2 =	sadd.s32 $0x380, s4;
	s5 =	sadd.s32 $0x4000, s5;
	s4 =	sadd.s32 $0x400, s4  }
0x71: {  	[tilespmem:s30], [sflag:$0x8] =	stream.indirect.gather [hbm4b:s3+s15], $0x40, s2, s15, $0xb8;
	[tilespmem:$0x16400] =	vst v63  }
.LBB2_5:
0x72: {  	_ =	sfence.sel $0x180000  }
0x73: {  	[bflag:$0x0] =	sbarrier.arrive $0xFFFF  }
0x74: {  	_ =	strace $0x90000047  }
0x75: {  	s0 =	stileid.u32;
	[bflag:$0x2] =	sbarrier.arrive $0xFFFF  }
0x76: {  	p0 =	sne.s32 s0, $0x0;
	s0 =	rddreg [dreg:$0x2]  }
0x77: {  	s0 =	sadd.s32 @!p0 $0x100000, s0  }
0x78: {  	[sflag:s0] =	ssyncadd.tile.s32 @!p0 $0x1;
	_ =	shalt  }
.Lfunc_end2:
_tile_overlayer_lowered:
.L_overlay_start_2:
0x79: {  	(tag) =	ssettag $0x2  }
0x7a: {  	s0 =	rddreg [dreg:$0x0];
	s2 =	stileid.u32  }
0x7b: {  	s1 =	rddreg [dreg:$0x1];
	p0 =	sne.s32 s2, $0x0  }
0x7c: {  	s3 =	rddreg [dreg:$0x2];
	[bflag:$0x3] =	sbarrier.arrive $0xFFFF;
	s2 =	simm.s32 @!p0 $0x1C09  }
0x7d: {  	[timem:s3], [sflag:s2] =	dma.local @!p0 [hbm:s0], s1  }
0x7e: {  	s0 =	simm.s32 @!p0 $0x9  }
0x7f: {  	_ =	swait.ge @!p0 [sflag:s0], s1  }
0x80: {  	s1 =	ssub.s32 @!p0 $0x0, s1;
	[sflag:s0] =	ssyncset.done @!p0 $0x0  }
0x81: {  	[sflag:s0] =	ssyncadd.s32 @!p0 s1  }
0x82: {  	[bflag:$0x3] =	sbarrier.arrive $0xFFFF  }
0x83: {  	_ =	shalt  }

// kernel: sparse-core-data-format-call.cloned.1.call-start
scs
called_computation_lowered:
.L_overlay_start_0:
0x0: {  	s2 =	sld [smem:$0x3FD9]  }
0x1: {  	s3 =	sld [smem:$0x3FFE];
	_ =	sdelay $0x1  }
0x2: {  	s1 =	srdreg.scid  }
0x3: {  	s0 =	sand.u32 $0x1, s1  }
0x4: {  	s18 =	sshll.u32 s0, $0xA;
	s2 =	sadd.s32 s3, s2  }
0x5: {  	s2 =	sadd.s32 s2, s18  }
0x6: {  	[smem:$0x3FC6] =	sst s2  }
0x7: {  	_ = 	snop  }
0x8: {  	s2 =	sld [smem:$0x3FD0];
	(tm) =	ssettm $0x1  }
0x9: {  	s19 =	sld [smem:$0x3FFB];
	_ =	sdelay $0x3  }
0xa: {  	_ =	strace s19  }
0xb: {  	s3 =	sld [smem:$0x3FFC];
	_ =	sdelay $0x3  }
0xc: {  	_ =	strace s3  }
0xd: {  	s3 =	sld [smem:$0x3FFD];
	_ =	sdelay $0x3  }
0xe: {  	_ =	strace s3  }
0xf: {  	_ =	strace $0x8FFFFFFF  }
0x10: {  	s20 =	sld [smem:$0x3FDB];
	_ =	sdelay $0x1  }
0x11: {  	s4 =	simm.s32 $_scs_section_size  }
0x12: {  	s5 =	simm.s32 $_size__tile_overlayer_lowered;
	s6 =	simm.s32 $_tile_overlayer_lowered  }
0x13: {  	s23 =	simm.s32 $0x1BFF;
	s22 =	sshll.u32 s6, $0x1;
	s3 =	sadd.s32 s4, s20  }
0x14: {  	s7 =	simm.s32 $0x0;
	s21 =	sshll.u32 s5, $0x1;
	s5 =	sadd.s32 s22, s3  }
0x15: {  	[timem:s7], [sflag:s23] =	dma.local [hbm:s5], s21  }
0x16: {  	_ =	swait.ge [sflag:s23], s21  }
0x17: {  	s4 =	ssub.s32 $0x0, s21;
	[sflag:s23] =	ssyncset.done $0x0  }
0x18: {  	[sflag:s23] =	ssyncadd.s32 s4;
	_ =	sdelay $0x1  }
0x19: {  	s24 =	simm.s32 $0x1B8B  }
0x1a: {  	_ =	swait.ge [sflag:s24], $0x1  }
0x1b: {  	[sflag:s24] =	ssyncset.done $0x0  }
0x1c: {  	s26 =	simm.s32 $0x1B8E;
	s25 =	sld [smem:$0x3FFE];
	[sflag:s24] =	ssyncadd.s32 $0xFFFFFFFF  }
0x1d: {  	s27 =	simm.s32 $execute0_lowered;
	[smem:$0x3FD2] =	sst s26  }
0x1e: {  	s5 =	sshll.u32 s27, $0x1;
	_ =	strace $0x80000049;
	[dreg:$0x1] =	wrdreg $0xFFFFFFFF  }
0x1f: {  	s28 =	simm.s32 $_size_execute0_lowered;
	s3 =	sadd.s32 s3, s5;
	[dreg:$0x0] =	wrdreg $0x0  }
0x20: {  	s5 =	sshll.u32 s28, $0x1;
	[dreg:$0x2] =	wrdreg s3  }
0x21: {  	[dreg:$0x3] =	wrdreg s5  }
0x22: {  	[dreg:$0x4] =	wrdreg $0xC0  }
0x23: {  	_ =	task [dreg:s7], $0x5FFFF  }
0x24: {  	[dreg:$0x1] =	wrdreg $0xFFFFFFFF  }
0x25: {  	[dreg:$0x0] =	wrdreg $0x60  }
0x26: {  	[dreg:$0x2] =	wrdreg s25  }
0x27: {  	[dreg:$0x3] =	wrdreg s2  }
0x28: {  	[dreg:$0x4] =	wrdreg $0x9  }
0x29: {  	_ =	task.clear_ibuf [dreg:s7], $0x5FFFF;
	_ =	strace $0x90000049  }
0x2a: {  	s29 =	simm.s32 $0x9;
	_ =	strace $0x8000004B  }
0x2b: {  	_ =	swait.ge [sflag:s29], $0x1  }
0x2c: {  	[sflag:s29] =	ssyncadd.s32 $0xFFFFFFFF  }
0x2d: {  	_ =	strace $0x9000004B  }
0x2e: {  	_ =	sfence  }
0x2f: {  	s30 =	sld [smem:$0x0];
	_ =	sdelay $0x2  }
0x30: {  	s31 =	sshll.u32 s1, $0xD;
	s1 =	sshrl.u32 s1, $0x2  }
0x31: {  	s3 =	sand.u32 $0x4000, s31;
	s1 =	sadd.s32 s1, s30  }
0x32: {  	s0 =	sor.u32 s3, s0;
	s1 =	sshll.u32 s1, $0x11  }
0x33: {  	s0 =	sor.u32 s1, s0  }
0x34: {  	s0 =	sadd.s32 $0x8F2B, s0  }
0x35: {  	[sflag:s0] =	ssyncadd.remote.s32 $0x1  }
0x36: {  	_ =	sfence.sel $0xFFFF  }
0x37: {  	[dreg:$0x0] =	wrdreg $0xFFFFFFFF;
	(pc) =	sbr.abs _section_cstart, $3  }
0x38: {  	[dreg:$0x1] =	wrdreg $0xFFFFFFFF  }
0x39: {  	_ =	task.clear_ibuf [dreg:s7], $0x2FFFF;
	_ =	strace $0x9FFFFFFF  }
0x3a: {  	(tm) =	ssettm $0x7FFFFFFF  }
0x3b: {  	_ =	shalt  }
tec
execute0_lowered:
.L_overlay_start_1:
0x0: {  	(tag) =	ssettag $0x1  }
0x1: {  	s0 =	srdreg.scid  }
0x2: {  	s1 =	sshll.u32 s0, $0x4  }
0x3: {  	s0 =	stileid.u32;
	s1 =	sand.u32 $0x10, s1  }
0x4: {  	s1 =	sor.u32 s0, s1  }
0x5: {  	s6 =	rddreg [dreg:$0x0];
	s4 =	simm.s32 $0x1;
	s2 =	sshll.u32 s1, $0x7  }
0x6: {  	s7 =	simm.s32 $0x2;
	s12 =	simm.s32 $0x0;
	s1 =	ssub.s32 $0x1000, s2  }
0x7: {  	s8 =	simm.s32 $0x8000;
	s13 =	simm.s32 $0x0;
	s3 =	sand.u32 $0xF80, s1  }
0x8: {  	s9 =	simm.s32 $0x0;
	s5 =	sshrl.u32 s1, $0xC;
	p0 =	sne.s32 s3, $0x0  }
.Ltmp0:
0x9: {  	s1 =	rddreg [dreg:$0x2];
	s4 =	simm.s32 @!p0 $0x0;
	(pc) =	sbr.rel .LBB1_1-.Ltmp0, $4  }
0xa: {  	s11 =	simm.s32 $0x0;
	s3 =	rddreg [dreg:$0x1];
	s5 =	sadd.s32 s4, s5  }
0xb: {  	_ =	strace $0x8000004A;
	s4 =	simm.s32 $0x1;
	s5 =	smul.u32 $0xC8, s5  }
0xc: {  	s6 =	sadd.s32 $0xA00, s6;
	s10 =	smov.u32 s2;
	[sflag:s4] =	ssyncpa.u1 $0x0  }
0xd: {  	p0 =	por $0x0, $0x0;
	[sflag:s7] =	ssyncpa.u1 $0x0;
	s7 =	sor.u32 $0x1, s5  }
.LBB1_4:
0xe: {  	s16 =	sshll.u32 s13, $0x3;
	s17 =	sand.u32 $0x78, s13  }
0xf: {  	s30 =	sand.u32 $0x7E00, s13;
	s12 =	sshll.u32 s12, $0xF;
	s16 =	sand.u32 $0xC00, s16  }
0x10: {  	[tilespmem:s15+$0x810 ss:$0x81] =	vst.msk $0xffff, v2;
	s31 =	sand.u32 $0x7, s13;
	s16 =	sor.u32 s17, s16;
	s17 =	sadd.s32 s3, s30  }
0x11: {  	[tilespmem:s15+$0x1020 ss:$0x81] =	vst.msk $0xffff, v0;
	s13 =	sshll.u32 s31, $0x12;
	s12 =	sadd.s32 s12, s17;
	s16 =	sshrl.u32 s16, $0x3  }
0x12: {  	[tilespmem:s15+$0x0 ss:$0x81] =	vst.msk $0xffff, v1;
	s13 =	sor.u32 $0x400, s13;
	s12 =	sadd.s32 s16, s12  }
0x13: {  	[hbm4b:s12+s13] =	stream.strided.scatter [tilespmem:s14], [sflag:$0x2], $0x2000, s8, s13, $0x20;
	[tilespmem:$0x8080] =	vst v63  }
.LBB1_5:
0x14: {  	s14 =	sadd.s32 $0x1, s9  }
0x15: {  	s12 =	sadd.s32 $0x1000, s10;
	s16 =	smov.u32 s10;
	p2 =	sgt.s32 s14, $0xC7  }
0x16: {  	s16 =	smov.u32 @p2 s12  }
0x17: {  	s14 =	simm.s32 @p2 $0x0;
	p2 =	sgt.s32 s16, $0xFFF  }
0x18: {  	s16 =	smov.u32 @p2 s2;
	p2 =	sne.s32 s11, s7  }
.Ltmp1:
0x19: {  	p1 =	slt.u32 s11, $0x2;
	(pc) =	sbr.rel @!p2 .LBB1_6-.Ltmp1, $4  }
0x1a: {  	s15 =	simm.s32 @!p1 $0x2  }
0x1b: {  	s13 =	smov.u32 s10;
	p0 =	por !p0, !p0;
	_ =	swait.ge @!p1 [sflag:s15], $0x2000  }
0x1c: {  	s12 =	smov.u32 s9;
	[sflag:s15] =	ssyncset.done @!p1 $0x0;
	s9 =	smov.u32 s14  }
0x1d: {  	s11 =	sadd.s32 $0x1, s11;
	[sflag:s15] =	ssyncadd.s32 @!p1 $0xFFFFE000;
	s10 =	smov.u32 s16  }
.LBB1_1:
0x1e: {  	p1 =	sge.u32 s11, s5  }
0x1f: {  	s14 =	sand.u32 @!p1 $0x1FFFFFF, s9  }
0x20: {  	s15 =	smulhi.u32 @!p1 $0x147AE15, s14;
	_ =	sdelay $0x1  }
0x21: {  	s15 =	smul.u32 @!p1 $0xC8, s15  }
0x22: {  	s16 =	sxor.u32 @!p1 $0xFFFFFFFF, s11;
	s17 =	smul.u32 @!p1 $0xC80, s10  }
0x23: {  	s31 =	sadd.s32 $0xFFFFFFFF, s11;
	s16 =	sshll.u32 @!p1 s16, $0xD;
	s14 =	ssub.s32 @!p1 s14, s15  }
0x24: {  	s15 =	sand.u32 @!p1 $0x2000, s16;
	s16 =	sadd.s32 @!p1 s6, s17;
	s14 =	sshll.u32 @!p1 s14, $0x4  }
0x25: {  	s17 =	simm.s32 @!p1 $0x6400;
	s14 =	sadd.s32 @!p1 s14, s16;
	s16 =	simm.s32 @!p1 $0x40  }
0x26: {  	[tilespmem:s15], [sflag:$0x1] =	stream.strided.gather @!p1 [hbm4b:s14+s16], $0x2000, s17, s16, $0x38;
	[tilespmem:$0x8080] =	vst v63  }
0x27: {  	p1 =	sge.u32 s31, s5  }
.Ltmp2:
0x28: {  	_ = 	snop;
	(pc) =	sbr.rel @p1 .LBB1_5-.Ltmp2, $1  }
0x29: {  	_ =	sdelay $0x3  }
0x2a: {  	s14 =	simm.s32 $0x1  }
0x2b: {  	_ =	swait.ge [sflag:s4], $0x2000;
	s14 =	simm.s32 @!p0 $0x0  }
0x2c: {  	[sflag:s4] =	ssyncset.done $0x0;
	s15 =	sshll.u32 s14, $0xD  }
0x2d: {  	[sflag:s4] =	ssyncadd.s32 $0xFFFFE000;
	s18 =	sor.u32 $0x20, s15  }
0x2e: {  	s14 =	smul.u32 $0x8100, s14;
	v3 =	vld [tilespmem:s18+$0x10]  }
0x2f: {  	s30 =	sand.u32 $0x1, s11;
	v2 =	vld [tilespmem:s18+$0xFFFFFFF0]  }
0x30: {  	s15 =	smul.u32 $0x8100, s30;
	s14 =	sshrl.u32 s14, $0x2;
	v0 =	vld [tilespmem:s18+$0x0]  }
0x31: {  	v1 =	vld [tilespmem:s18+$0xFFFFFFE0];
	s16 =	sor.u32 $0x4000, s14  }
0x32: {  	s31 =	sshrl.u32 s15, $0x2;
	s15 =	sadd.s32 $0x0, s16  }
0x33: {  	s17 =	simm.s32 $0x4;
	s18 =	sadd.s32 $0x40, s18;
	s14 =	sor.u32 $0x4000, s31;
	[tilespmem:s15+$0x1830 ss:$0x81] =	vst.msk $0xffff, v3  }
.LBB1_3:
0x34: {  	v3 =	vld [tilespmem:s18+$0x10];
	p1 =	sne.s32 s17, $0x1FC;
	[tilespmem:s15+$0x810 ss:$0x81] =	vst.msk $0xffff, v2;
	s19 =	smov.u32 s17;
	s17 =	sadd.s32 $0x4, s17  }
.Ltmp3:
0x35: {  	v2 =	vld [tilespmem:s18+$0xFFFFFFF0];
	[tilespmem:s15+$0x1020 ss:$0x81] =	vst.msk $0xffff, v0;
	(pc) =	sbr.rel @p1 .LBB1_3-.Ltmp3, $4  }
0x36: {  	v0 =	vld [tilespmem:s18+$0x0];
	[tilespmem:s15+$0x0 ss:$0x81] =	vst.msk $0xffff, v1  }
0x37: {  	s15 =	sshra.s32 s19, $0x2;
	v1 =	vld [tilespmem:s18+$0xFFFFFFE0]  }
0x38: {  	s15 =	sadd.s32 s15, s16  }
0x39: {  	s18 =	sadd.s32 $0x40, s18;
	[tilespmem:s15+$0x1830 ss:$0x81] =	vst.msk $0xffff, v3  }
.Ltmp4:
0x3a: {  	_ = 	snop;
	(pc) =	sbr.rel .LBB1_4-.Ltmp4, $1  }
0x3b: {  	_ =	sdelay $0x3  }
.LBB1_6:
0x3c: {  	_ =	sfence.sel $0x180000  }
0x3d: {  	s2 =	simm.s32 $0x1;
	[bflag:$0x0] =	sbarrier.arrive $0xFFFF  }
0x3e: {  	s31 =	simm.s32 $0x2;
	[sflag:s2] =	ssyncpa.u1 $0x1  }
0x3f: {  	[sflag:s31] =	ssyncpa.u1 $0x1  }
0x40: {  	p0 =	sne.s32 s0, $0x0;
	_ =	strace $0x9000004A  }
0x41: {  	s0 =	sadd.s32 @!p0 $0x100000, s1;
	[bflag:$0x2] =	sbarrier.arrive $0xFFFF  }
0x42: {  	[sflag:s0] =	ssyncadd.tile.s32 @!p0 $0x1;
	_ =	shalt  }
.Lfunc_end1:
_tile_overlayer_lowered:
.L_overlay_start_2:
0x43: {  	(tag) =	ssettag $0x2  }
0x44: {  	s0 =	rddreg [dreg:$0x0];
	s2 =	stileid.u32  }
0x45: {  	s1 =	rddreg [dreg:$0x1];
	p0 =	sne.s32 s2, $0x0  }
0x46: {  	s3 =	rddreg [dreg:$0x2];
	[bflag:$0x3] =	sbarrier.arrive $0xFFFF;
	s2 =	simm.s32 @!p0 $0x1C01  }
0x47: {  	[timem:s3], [sflag:s2] =	dma.local @!p0 [hbm:s0], s1  }
0x48: {  	s0 =	simm.s32 @!p0 $0x1  }
0x49: {  	_ =	swait.ge @!p0 [sflag:s0], s1  }
0x4a: {  	s1 =	ssub.s32 @!p0 $0x0, s1;
	[sflag:s0] =	ssyncset.done @!p0 $0x0  }
0x4b: {  	[sflag:s0] =	ssyncadd.s32 @!p0 s1  }
0x4c: {  	[bflag:$0x3] =	sbarrier.arrive $0xFFFF  }
0x4d: {  	_ =	shalt  }

</sc_bundles>
